<compile_context>
chip_gen: v7x
topology: tpu7x:2x2x1
jax: 0.10.2.dev20260603
libtpu: 0.0.44.dev20260713+nightly
codegen_flags: <defaults>
</compile_context>

<pallas_src>
import functools

import jax
import jax.numpy as jnp
from jax import lax
from jax.experimental import pallas as pl
from jax.experimental.pallas import tpu as pltpu
from jax.experimental.pallas import tpu_sc as plsc

NUM_NODES = 1000000
BATCH = 16384
DEFAULT_DT = 1.0

NUM_WORKERS = 16
EV_PER_W = BATCH // NUM_WORKERS
GCHUNK = 128
R_OWN = 62504
LAST_OWN = NUM_NODES - (NUM_WORKERS - 1) * R_OWN


def _body(ids_hbm, ts_hbm, last_hbm, dt_hbm, out_hbm,
          allids_v, allts_v, glast_v, gdt_v, own_v, sem, sem_own, sem_out):
    wid = lax.axis_index("s")
    nbase = wid * R_OWN
    ebase = wid * EV_PER_W

    @pl.when(wid < NUM_WORKERS - 1)
    def _():
        pltpu.async_copy(last_hbm.at[pl.ds(nbase, R_OWN)],
                         own_v.at[pl.ds(8, R_OWN)], sem_own)

    @pl.when(wid == NUM_WORKERS - 1)
    def _():
        pltpu.async_copy(last_hbm.at[pl.ds(nbase, LAST_OWN)],
                         own_v.at[pl.ds(8, LAST_OWN)], sem_own)

    c_ts = pltpu.async_copy(ts_hbm, allts_v, sem)
    pltpu.sync_copy(ids_hbm, allids_v)
    gathers = [
        pltpu.async_copy(
            last_hbm.at[allids_v.at[pl.ds(ebase + j * GCHUNK, GCHUNK)]],
            glast_v.at[pl.ds(j * GCHUNK, GCHUNK)],
            sem,
        )
        for j in range(EV_PER_W // GCHUNK)
    ]
    c_ts.wait()

    nsize = jnp.minimum(nbase + R_OWN, NUM_NODES) - nbase
    cap_u = plsc.bitcast(jnp.broadcast_to(nsize + 8, (16,))
                         + lax.iota(jnp.int32, 16), jnp.uint32)
    base_m8 = jnp.broadcast_to(nbase - 8, (16,))

    @pl.when(wid < NUM_WORKERS - 1)
    def _():
        pltpu.make_async_copy(last_hbm.at[pl.ds(nbase, R_OWN)],
                              own_v.at[pl.ds(8, R_OWN)], sem_own).wait()

    @pl.when(wid == NUM_WORKERS - 1)
    def _():
        pltpu.make_async_copy(last_hbm.at[pl.ds(nbase, LAST_OWN)],
                              own_v.at[pl.ds(8, LAST_OWN)], sem_own).wait()

    def sbody(i, carry):
        off = i * 16
        d_u = plsc.bitcast(allids_v[pl.ds(off, 16)] - base_m8, jnp.uint32)
        loc = plsc.bitcast(jnp.minimum(d_u, cap_u), jnp.int32)
        tsv = allts_v[pl.ds(off, 16)]
        plsc.store_scatter(own_v, [loc], tsv)
        return carry

    lax.fori_loop(0, BATCH // 16, sbody, 0, unroll=8)

    @pl.when(wid < NUM_WORKERS - 1)
    def _():
        pltpu.async_copy(own_v.at[pl.ds(8, R_OWN)],
                         out_hbm.at[pl.ds(nbase, R_OWN)], sem_out)

    @pl.when(wid == NUM_WORKERS - 1)
    def _():
        pltpu.async_copy(own_v.at[pl.ds(8, LAST_OWN)],
                         out_hbm.at[pl.ds(nbase, LAST_OWN)], sem_out)

    for c in gathers:
        c.wait()
    one = jnp.full((16,), DEFAULT_DT, jnp.float32)
    zero = jnp.zeros((16,), jnp.float32)

    def dbody(i, carry):
        lastv = glast_v[pl.ds(i * 16, 16)]
        tsv = allts_v[pl.ds(ebase + i * 16, 16)]
        dtv = jnp.where(lastv >= 0.0, tsv - lastv, one)
        gdt_v[pl.ds(i * 16, 16)] = jnp.maximum(dtv, zero)
        return carry

    lax.fori_loop(0, EV_PER_W // 16, dbody, 0, unroll=8)
    pltpu.sync_copy(gdt_v, dt_hbm.at[pl.ds(ebase, EV_PER_W)])

    @pl.when(wid < NUM_WORKERS - 1)
    def _():
        pltpu.make_async_copy(own_v.at[pl.ds(8, R_OWN)],
                              out_hbm.at[pl.ds(nbase, R_OWN)], sem_out).wait()

    @pl.when(wid == NUM_WORKERS - 1)
    def _():
        pltpu.make_async_copy(own_v.at[pl.ds(8, LAST_OWN)],
                              out_hbm.at[pl.ds(nbase, LAST_OWN)],
                              sem_out).wait()


_recency = functools.partial(
    pl.kernel,
    out_type=(
        jax.ShapeDtypeStruct((BATCH,), jnp.float32),
        jax.ShapeDtypeStruct((NUM_NODES,), jnp.float32),
    ),
    mesh=plsc.VectorSubcoreMesh(core_axis_name="c", subcore_axis_name="s",
                                num_cores=1),
    compiler_params=pltpu.CompilerParams(needs_layout_passes=False),
    scratch_types=[
        pltpu.VMEM((BATCH,), jnp.int32),
        pltpu.VMEM((BATCH,), jnp.float32),
        pltpu.VMEM((EV_PER_W,), jnp.float32),
        pltpu.VMEM((EV_PER_W,), jnp.float32),
        pltpu.VMEM((R_OWN + 32,), jnp.float32),
        pltpu.SemaphoreType.DMA,
        pltpu.SemaphoreType.DMA,
        pltpu.SemaphoreType.DMA,
    ],
)(_body)


def kernel(node_ids, ts, last_src_ts):
    ids = node_ids.astype(jnp.int32)
    dt, new_last = _recency(ids, ts, last_src_ts)
    return dt, new_last

# --- scband reference (transcript-rebuilt; emitter-appended) ---
"""Pipeline reference for scband-recency-tracker-10788957848114 (READ-ONLY COPY).

The authoritative reference and input builder live on the scoring server;
editing this copy changes nothing except your own understanding.
"""

import jax, jax.numpy as jnp
import numpy as np

NUM_NODES = 1000000
BATCH = 16384
DEFAULT_DT = 1.0


def setup_inputs(seed: int = 0) -> dict:
    key = jax.random.key(seed)
    k1, k2, k3, k4 = jax.random.split(key, 4)
    node_ids = jax.random.randint(k1, (BATCH,), 0, NUM_NODES)
    ts = jax.random.uniform(k2, (BATCH,), dtype=jnp.float32, minval=0.0, maxval=1000.0)
    # buffer last_src_ts: initialized to -1 (unseen); make ~half the nodes 'seen'
    # so both branches of the where() are exercised realistically
    seen = jax.random.uniform(k3, (NUM_NODES,)) < 0.5
    prev = jax.random.uniform(k4, (NUM_NODES,), dtype=jnp.float32, minval=0.0, maxval=500.0)
    last_src_ts = jnp.where(seen, prev, jnp.full((NUM_NODES,), -1.0, dtype=jnp.float32))
    return {"node_ids": node_ids, "ts": ts, "last_src_ts": last_src_ts}


def reference(node_ids, ts, last_src_ts):
    # get_dt: gather last-seen ts per src node
    last = jnp.take(last_src_ts, node_ids, axis=0)
    dt = ts - last
    fill = jnp.full_like(dt, DEFAULT_DT)
    dt = jnp.where(last >= 0.0, dt, fill)
    dt = jnp.clip(dt, 0.0, None)
    # update_src: scatter-overwrite timestamps into the memory buffer
    new_last_src_ts = last_src_ts.at[node_ids].set(ts)
    return dt, new_last_src_ts

if __name__ == "__main__":
    import jax
    _d = setup_inputs()
    print(jax.jit(kernel)(*tuple(_d.values())))

</pallas_src>

<mosaic_0001>
#map = affine_map<(d0, d1) -> (0)>
module attributes {stable_mosaic.version = 14 : i64} {
  func.func @_body(%arg0: i32, %arg1: i32, %arg2: memref<16384xi32, #tpu.memory_space<hbm>>, %arg3: memref<16384xf32, #tpu.memory_space<hbm>>, %arg4: memref<1000000xf32, #tpu.memory_space<hbm>>, %arg5: memref<16384xf32, #tpu.memory_space<hbm>>, %arg6: memref<1000000xf32, #tpu.memory_space<hbm>>, %arg7: memref<16384xi32, #tpu.memory_space<vmem>>, %arg8: memref<16384xf32, #tpu.memory_space<vmem>>, %arg9: memref<1024xf32, #tpu.memory_space<vmem>>, %arg10: memref<1024xf32, #tpu.memory_space<vmem>>, %arg11: memref<62536xf32, #tpu.memory_space<vmem>>, %arg12: memref<!tpu.dma_semaphore, #tpu.memory_space<semaphore_mem>>, %arg13: memref<!tpu.dma_semaphore, #tpu.memory_space<semaphore_mem>>, %arg14: memref<!tpu.dma_semaphore, #tpu.memory_space<semaphore_mem>>) attributes {dimension_semantics = [#tpu.dimension_semantics<core_parallel>, #tpu.dimension_semantics<subcore_parallel>], iteration_bounds = array<i64: 1, 16>, scalar_prefetch = 0 : i64, scratch_operands = 8 : i64, tpu.core_type = #tpu.core_type<sc_vector_subcore>, window_params = [{transform_indices = #map}, {transform_indices = #map}, {transform_indices = #map}, {transform_indices = #map}, {transform_indices = #map}]} {
    %mul3A = arith.constant 62504 : i32
    %mul3A_0 = arith.muli %arg1, %mul3A : i32
    %mul3A_1 = arith.constant 1024 : i32
    %mul3A_2 = arith.muli %arg1, %mul3A_1 : i32
    %lt3A = arith.constant 15 : i32
    %lt3A_3 = arith.cmpi slt, %arg1, %lt3A : i32
    %convert_element_type3A = arith.extui %lt3A_3 : i1 to i32
    %cond3A = arith.constant 0 : i32
    %cond3A_4 = arith.cmpi ne, %convert_element_type3A, %cond3A : i32
    scf.if %cond3A_4 {
      %dma_start3A_156 = arith.constant 8 : i32
      %dma_start3A_157 = tpu.memref_slice %arg11[%dma_start3A_156] : memref<62536xf32, #tpu.memory_space<vmem>> -> memref<62504xf32, #tpu.memory_space<vmem>>
      %dma_start3A_158 = tpu.memref_slice %arg4[%mul3A_0] : memref<1000000xf32, #tpu.memory_space<hbm>> -> memref<62504xf32, #tpu.memory_space<hbm>>
      %dma_start3A_159 = arith.constant 8 : i32
      %dma_start3A_160 = tpu.memref_slice %arg11[%dma_start3A_159] : memref<62536xf32, #tpu.memory_space<vmem>> -> memref<62504xf32, #tpu.memory_space<vmem>>
      %dma_start3A_161 = tpu.memref_slice %arg4[%mul3A_0] : memref<1000000xf32, #tpu.memory_space<hbm>> -> memref<62504xf32, #tpu.memory_space<hbm>>
      tpu.enqueue_dma source(%dma_start3A_161 : memref<62504xf32, #tpu.memory_space<hbm>>) target(%dma_start3A_160 : memref<62504xf32, #tpu.memory_space<vmem>>) target_semaphore(%arg13 : memref<!tpu.dma_semaphore, #tpu.memory_space<semaphore_mem>>)
    } else {
    }
    %eq3A = arith.constant 15 : i32
    %eq3A_5 = arith.cmpi eq, %arg1, %eq3A : i32
    %convert_element_type3A_6 = arith.extui %eq3A_5 : i1 to i32
    %cond3A_7 = arith.constant 0 : i32
    %cond3A_8 = arith.cmpi ne, %convert_element_type3A_6, %cond3A_7 : i32
    scf.if %cond3A_8 {
      %dma_start3A_156 = arith.constant 8 : i32
      %dma_start3A_157 = tpu.memref_slice %arg11[%dma_start3A_156] : memref<62536xf32, #tpu.memory_space<vmem>> -> memref<62440xf32, #tpu.memory_space<vmem>>
      %dma_start3A_158 = tpu.memref_slice %arg4[%mul3A_0] : memref<1000000xf32, #tpu.memory_space<hbm>> -> memref<62440xf32, #tpu.memory_space<hbm>>
      %dma_start3A_159 = arith.constant 8 : i32
      %dma_start3A_160 = tpu.memref_slice %arg11[%dma_start3A_159] : memref<62536xf32, #tpu.memory_space<vmem>> -> memref<62440xf32, #tpu.memory_space<vmem>>
      %dma_start3A_161 = tpu.memref_slice %arg4[%mul3A_0] : memref<1000000xf32, #tpu.memory_space<hbm>> -> memref<62440xf32, #tpu.memory_space<hbm>>
      tpu.enqueue_dma source(%dma_start3A_161 : memref<62440xf32, #tpu.memory_space<hbm>>) target(%dma_start3A_160 : memref<62440xf32, #tpu.memory_space<vmem>>) target_semaphore(%arg13 : memref<!tpu.dma_semaphore, #tpu.memory_space<semaphore_mem>>)
    } else {
    }
    tpu.enqueue_dma source(%arg3 : memref<16384xf32, #tpu.memory_space<hbm>>) target(%arg8 : memref<16384xf32, #tpu.memory_space<vmem>>) target_semaphore(%arg12 : memref<!tpu.dma_semaphore, #tpu.memory_space<semaphore_mem>>)
    "tpu.region"() ({
      %run_scoped3A = tpu.sem_alloc : memref<!tpu.dma_semaphore, #tpu.memory_space<semaphore_mem>>
      tpu.enqueue_dma source(%arg2 : memref<16384xi32, #tpu.memory_space<hbm>>) target(%arg7 : memref<16384xi32, #tpu.memory_space<vmem>>) target_semaphore(%run_scoped3A : memref<!tpu.dma_semaphore, #tpu.memory_space<semaphore_mem>>)
      tpu.wait_dma2 semaphore(%run_scoped3A : memref<!tpu.dma_semaphore, #tpu.memory_space<semaphore_mem>>) src(%arg2 : memref<16384xi32, #tpu.memory_space<hbm>>) dst(%arg7 : memref<16384xi32, #tpu.memory_space<vmem>>)
      tpu.yield
    }) : () -> ()
    %add3A = arith.constant 0 : i32
    %add3A_9 = arith.addi %mul3A_2, %add3A : i32
    %dma_start3A = arith.constant 0 : i32
    %dma_start3A_10 = tpu.memref_slice %arg9[%dma_start3A] : memref<1024xf32, #tpu.memory_space<vmem>> -> memref<128xf32, #tpu.memory_space<vmem>>
    %dma_start3A_11 = tpu.memref_slice %arg7[%add3A_9] : memref<16384xi32, #tpu.memory_space<vmem>> -> memref<128xi32, #tpu.memory_space<vmem>>
    %dma_start3A_12 = arith.constant 0 : i32
    %dma_start3A_13 = tpu.memref_slice %arg4[%dma_start3A_12] : memref<1000000xf32, #tpu.memory_space<hbm>> -> memref<1000000xf32, #tpu.memory_space<hbm>>
    tpu.enqueue_indirect_dma source(%dma_start3A_13 : memref<1000000xf32, #tpu.memory_space<hbm>>) target(%dma_start3A_10 : memref<128xf32, #tpu.memory_space<vmem>>) offsets(%dma_start3A_11 : memref<128xi32, #tpu.memory_space<vmem>>) semaphore(%arg12 : memref<!tpu.dma_semaphore, #tpu.memory_space<semaphore_mem>>)
    %add3A_14 = arith.constant 128 : i32
    %add3A_15 = arith.addi %mul3A_2, %add3A_14 : i32
    %dma_start3A_16 = arith.constant 128 : i32
    %dma_start3A_17 = tpu.memref_slice %arg9[%dma_start3A_16] : memref<1024xf32, #tpu.memory_space<vmem>> -> memref<128xf32, #tpu.memory_space<vmem>>
    %dma_start3A_18 = tpu.memref_slice %arg7[%add3A_15] : memref<16384xi32, #tpu.memory_space<vmem>> -> memref<128xi32, #tpu.memory_space<vmem>>
    %dma_start3A_19 = arith.constant 0 : i32
    %dma_start3A_20 = tpu.memref_slice %arg4[%dma_start3A_19] : memref<1000000xf32, #tpu.memory_space<hbm>> -> memref<1000000xf32, #tpu.memory_space<hbm>>
    tpu.enqueue_indirect_dma source(%dma_start3A_20 : memref<1000000xf32, #tpu.memory_space<hbm>>) target(%dma_start3A_17 : memref<128xf32, #tpu.memory_space<vmem>>) offsets(%dma_start3A_18 : memref<128xi32, #tpu.memory_space<vmem>>) semaphore(%arg12 : memref<!tpu.dma_semaphore, #tpu.memory_space<semaphore_mem>>)
    %add3A_21 = arith.constant 256 : i32
    %add3A_22 = arith.addi %mul3A_2, %add3A_21 : i32
    %dma_start3A_23 = arith.constant 256 : i32
    %dma_start3A_24 = tpu.memref_slice %arg9[%dma_start3A_23] : memref<1024xf32, #tpu.memory_space<vmem>> -> memref<128xf32, #tpu.memory_space<vmem>>
    %dma_start3A_25 = tpu.memref_slice %arg7[%add3A_22] : memref<16384xi32, #tpu.memory_space<vmem>> -> memref<128xi32, #tpu.memory_space<vmem>>
    %dma_start3A_26 = arith.constant 0 : i32
    %dma_start3A_27 = tpu.memref_slice %arg4[%dma_start3A_26] : memref<1000000xf32, #tpu.memory_space<hbm>> -> memref<1000000xf32, #tpu.memory_space<hbm>>
    tpu.enqueue_indirect_dma source(%dma_start3A_27 : memref<1000000xf32, #tpu.memory_space<hbm>>) target(%dma_start3A_24 : memref<128xf32, #tpu.memory_space<vmem>>) offsets(%dma_start3A_25 : memref<128xi32, #tpu.memory_space<vmem>>) semaphore(%arg12 : memref<!tpu.dma_semaphore, #tpu.memory_space<semaphore_mem>>)
    %add3A_28 = arith.constant 384 : i32
    %add3A_29 = arith.addi %mul3A_2, %add3A_28 : i32
    %dma_start3A_30 = arith.constant 384 : i32
    %dma_start3A_31 = tpu.memref_slice %arg9[%dma_start3A_30] : memref<1024xf32, #tpu.memory_space<vmem>> -> memref<128xf32, #tpu.memory_space<vmem>>
    %dma_start3A_32 = tpu.memref_slice %arg7[%add3A_29] : memref<16384xi32, #tpu.memory_space<vmem>> -> memref<128xi32, #tpu.memory_space<vmem>>
    %dma_start3A_33 = arith.constant 0 : i32
    %dma_start3A_34 = tpu.memref_slice %arg4[%dma_start3A_33] : memref<1000000xf32, #tpu.memory_space<hbm>> -> memref<1000000xf32, #tpu.memory_space<hbm>>
    tpu.enqueue_indirect_dma source(%dma_start3A_34 : memref<1000000xf32, #tpu.memory_space<hbm>>) target(%dma_start3A_31 : memref<128xf32, #tpu.memory_space<vmem>>) offsets(%dma_start3A_32 : memref<128xi32, #tpu.memory_space<vmem>>) semaphore(%arg12 : memref<!tpu.dma_semaphore, #tpu.memory_space<semaphore_mem>>)
    %add3A_35 = arith.constant 512 : i32
    %add3A_36 = arith.addi %mul3A_2, %add3A_35 : i32
    %dma_start3A_37 = arith.constant 512 : i32
    %dma_start3A_38 = tpu.memref_slice %arg9[%dma_start3A_37] : memref<1024xf32, #tpu.memory_space<vmem>> -> memref<128xf32, #tpu.memory_space<vmem>>
    %dma_start3A_39 = tpu.memref_slice %arg7[%add3A_36] : memref<16384xi32, #tpu.memory_space<vmem>> -> memref<128xi32, #tpu.memory_space<vmem>>
    %dma_start3A_40 = arith.constant 0 : i32
    %dma_start3A_41 = tpu.memref_slice %arg4[%dma_start3A_40] : memref<1000000xf32, #tpu.memory_space<hbm>> -> memref<1000000xf32, #tpu.memory_space<hbm>>
    tpu.enqueue_indirect_dma source(%dma_start3A_41 : memref<1000000xf32, #tpu.memory_space<hbm>>) target(%dma_start3A_38 : memref<128xf32, #tpu.memory_space<vmem>>) offsets(%dma_start3A_39 : memref<128xi32, #tpu.memory_space<vmem>>) semaphore(%arg12 : memref<!tpu.dma_semaphore, #tpu.memory_space<semaphore_mem>>)
    %add3A_42 = arith.constant 640 : i32
    %add3A_43 = arith.addi %mul3A_2, %add3A_42 : i32
    %dma_start3A_44 = arith.constant 640 : i32
    %dma_start3A_45 = tpu.memref_slice %arg9[%dma_start3A_44] : memref<1024xf32, #tpu.memory_space<vmem>> -> memref<128xf32, #tpu.memory_space<vmem>>
    %dma_start3A_46 = tpu.memref_slice %arg7[%add3A_43] : memref<16384xi32, #tpu.memory_space<vmem>> -> memref<128xi32, #tpu.memory_space<vmem>>
    %dma_start3A_47 = arith.constant 0 : i32
    %dma_start3A_48 = tpu.memref_slice %arg4[%dma_start3A_47] : memref<1000000xf32, #tpu.memory_space<hbm>> -> memref<1000000xf32, #tpu.memory_space<hbm>>
    tpu.enqueue_indirect_dma source(%dma_start3A_48 : memref<1000000xf32, #tpu.memory_space<hbm>>) target(%dma_start3A_45 : memref<128xf32, #tpu.memory_space<vmem>>) offsets(%dma_start3A_46 : memref<128xi32, #tpu.memory_space<vmem>>) semaphore(%arg12 : memref<!tpu.dma_semaphore, #tpu.memory_space<semaphore_mem>>)
    %add3A_49 = arith.constant 768 : i32
    %add3A_50 = arith.addi %mul3A_2, %add3A_49 : i32
    %dma_start3A_51 = arith.constant 768 : i32
    %dma_start3A_52 = tpu.memref_slice %arg9[%dma_start3A_51] : memref<1024xf32, #tpu.memory_space<vmem>> -> memref<128xf32, #tpu.memory_space<vmem>>
    %dma_start3A_53 = tpu.memref_slice %arg7[%add3A_50] : memref<16384xi32, #tpu.memory_space<vmem>> -> memref<128xi32, #tpu.memory_space<vmem>>
    %dma_start3A_54 = arith.constant 0 : i32
    %dma_start3A_55 = tpu.memref_slice %arg4[%dma_start3A_54] : memref<1000000xf32, #tpu.memory_space<hbm>> -> memref<1000000xf32, #tpu.memory_space<hbm>>
    tpu.enqueue_indirect_dma source(%dma_start3A_55 : memref<1000000xf32, #tpu.memory_space<hbm>>) target(%dma_start3A_52 : memref<128xf32, #tpu.memory_space<vmem>>) offsets(%dma_start3A_53 : memref<128xi32, #tpu.memory_space<vmem>>) semaphore(%arg12 : memref<!tpu.dma_semaphore, #tpu.memory_space<semaphore_mem>>)
    %add3A_56 = arith.constant 896 : i32
    %add3A_57 = arith.addi %mul3A_2, %add3A_56 : i32
    %dma_start3A_58 = arith.constant 896 : i32
    %dma_start3A_59 = tpu.memref_slice %arg9[%dma_start3A_58] : memref<1024xf32, #tpu.memory_space<vmem>> -> memref<128xf32, #tpu.memory_space<vmem>>
    %dma_start3A_60 = tpu.memref_slice %arg7[%add3A_57] : memref<16384xi32, #tpu.memory_space<vmem>> -> memref<128xi32, #tpu.memory_space<vmem>>
    %dma_start3A_61 = arith.constant 0 : i32
    %dma_start3A_62 = tpu.memref_slice %arg4[%dma_start3A_61] : memref<1000000xf32, #tpu.memory_space<hbm>> -> memref<1000000xf32, #tpu.memory_space<hbm>>
    tpu.enqueue_indirect_dma source(%dma_start3A_62 : memref<1000000xf32, #tpu.memory_space<hbm>>) target(%dma_start3A_59 : memref<128xf32, #tpu.memory_space<vmem>>) offsets(%dma_start3A_60 : memref<128xi32, #tpu.memory_space<vmem>>) semaphore(%arg12 : memref<!tpu.dma_semaphore, #tpu.memory_space<semaphore_mem>>)
    tpu.wait_dma2 semaphore(%arg12 : memref<!tpu.dma_semaphore, #tpu.memory_space<semaphore_mem>>) src(%arg3 : memref<16384xf32, #tpu.memory_space<hbm>>) dst(%arg8 : memref<16384xf32, #tpu.memory_space<vmem>>)
    %add3A_63 = arith.constant 62504 : i32
    %add3A_64 = arith.addi %mul3A_0, %add3A_63 : i32
    %min3A = arith.constant 1000000 : i32
    %min3A_65 = arith.minsi %add3A_64, %min3A : i32
    %sub3A = arith.subi %min3A_65, %mul3A_0 : i32
    %add3A_66 = arith.constant 8 : i32
    %add3A_67 = arith.addi %sub3A, %add3A_66 : i32
    %broadcast_in_dim3A = vector.broadcast %add3A_67 : i32 to vector<16xi32>
    %iota3A = tpu.iota {dimensions = array<i32: 0>} : vector<16xi32>
    %add3A_68 = arith.addi %broadcast_in_dim3A, %iota3A : vector<16xi32>
    %bitcast3A = vector.bitcast %add3A_68 : vector<16xi32> to vector<16xi32>
    %sub3A_69 = arith.constant 8 : i32
    %sub3A_70 = arith.subi %mul3A_0, %sub3A_69 : i32
    %broadcast_in_dim3A_71 = vector.broadcast %sub3A_70 : i32 to vector<16xi32>
    %lt3A_72 = arith.constant 15 : i32
    %lt3A_73 = arith.cmpi slt, %arg1, %lt3A_72 : i32
    %convert_element_type3A_74 = arith.extui %lt3A_73 : i1 to i32
    %cond3A_75 = arith.constant 0 : i32
    %cond3A_76 = arith.cmpi ne, %convert_element_type3A_74, %cond3A_75 : i32
    scf.if %cond3A_76 {
      %dma_wait3A_156 = arith.constant 8 : i32
      %dma_wait3A_157 = tpu.memref_slice %arg11[%dma_wait3A_156] : memref<62536xf32, #tpu.memory_space<vmem>> -> memref<62504xf32, #tpu.memory_space<vmem>>
      %dma_wait3A_158 = tpu.memref_slice %arg4[%mul3A_0] : memref<1000000xf32, #tpu.memory_space<hbm>> -> memref<62504xf32, #tpu.memory_space<hbm>>
      %dma_wait3A_159 = arith.constant 8 : i32
      %dma_wait3A_160 = tpu.memref_slice %arg11[%dma_wait3A_159] : memref<62536xf32, #tpu.memory_space<vmem>> -> memref<62504xf32, #tpu.memory_space<vmem>>
      %dma_wait3A_161 = tpu.memref_slice %arg4[%mul3A_0] : memref<1000000xf32, #tpu.memory_space<hbm>> -> memref<62504xf32, #tpu.memory_space<hbm>>
      tpu.wait_dma2 semaphore(%arg13 : memref<!tpu.dma_semaphore, #tpu.memory_space<semaphore_mem>>) src(%dma_wait3A_161 : memref<62504xf32, #tpu.memory_space<hbm>>) dst(%dma_wait3A_160 : memref<62504xf32, #tpu.memory_space<vmem>>)
    } else {
    }
    %eq3A_77 = arith.constant 15 : i32
    %eq3A_78 = arith.cmpi eq, %arg1, %eq3A_77 : i32
    %convert_element_type3A_79 = arith.extui %eq3A_78 : i1 to i32
    %cond3A_80 = arith.constant 0 : i32
    %cond3A_81 = arith.cmpi ne, %convert_element_type3A_79, %cond3A_80 : i32
    scf.if %cond3A_81 {
      %dma_wait3A_156 = arith.constant 8 : i32
      %dma_wait3A_157 = tpu.memref_slice %arg11[%dma_wait3A_156] : memref<62536xf32, #tpu.memory_space<vmem>> -> memref<62440xf32, #tpu.memory_space<vmem>>
      %dma_wait3A_158 = tpu.memref_slice %arg4[%mul3A_0] : memref<1000000xf32, #tpu.memory_space<hbm>> -> memref<62440xf32, #tpu.memory_space<hbm>>
      %dma_wait3A_159 = arith.constant 8 : i32
      %dma_wait3A_160 = tpu.memref_slice %arg11[%dma_wait3A_159] : memref<62536xf32, #tpu.memory_space<vmem>> -> memref<62440xf32, #tpu.memory_space<vmem>>
      %dma_wait3A_161 = tpu.memref_slice %arg4[%mul3A_0] : memref<1000000xf32, #tpu.memory_space<hbm>> -> memref<62440xf32, #tpu.memory_space<hbm>>
      tpu.wait_dma2 semaphore(%arg13 : memref<!tpu.dma_semaphore, #tpu.memory_space<semaphore_mem>>) src(%dma_wait3A_161 : memref<62440xf32, #tpu.memory_space<hbm>>) dst(%dma_wait3A_160 : memref<62440xf32, #tpu.memory_space<vmem>>)
    } else {
    }
    %scan3A = arith.constant 0 : i32
    %scan3A_82 = arith.constant 0 : i32
    %scan3A_83 = arith.constant 1024 : i32
    %scan3A_84 = arith.addi %scan3A_82, %scan3A_83 : i32
    %scan3A_85 = arith.constant 8 : i32
    scf.for %scan3A_156 = %scan3A_82 to %scan3A_84 step %scan3A_85  : i32 {
      %mul3A_157 = arith.constant 16 : i32
      %mul3A_158 = arith.muli %scan3A_156, %mul3A_157 : i32
      %get3A = arith.index_cast %mul3A_158 : i32 to index
      %get3A_159 = tpu.vector_load %arg7[%get3A] {strides = array<i32>} : memref<16384xi32, #tpu.memory_space<vmem>>, vector<16xi32>,
      %sub3A_160 = arith.subi %get3A_159, %broadcast_in_dim3A_71 : vector<16xi32>
      %bitcast3A_161 = vector.bitcast %sub3A_160 : vector<16xi32> to vector<16xi32>
      %min3A_162 = arith.minui %bitcast3A_161, %bitcast3A : vector<16xi32>
      %bitcast3A_163 = vector.bitcast %min3A_162 : vector<16xi32> to vector<16xi32>
      %get3A_164 = arith.index_cast %mul3A_158 : i32 to index
      %get3A_165 = tpu.vector_load %arg8[%get3A_164] {strides = array<i32>} : memref<16384xf32, #tpu.memory_space<vmem>>, vector<16xf32>,
      tpu.vector_store_idx %arg11[%bitcast3A_163], %get3A_165 : memref<62536xf32, #tpu.memory_space<vmem>>[vector<16xi32>], vector<16xf32>,
      %scan3A_166 = arith.constant 1 : i32
      %scan3A_167 = arith.addi %scan3A_156, %scan3A_166 : i32
      %mul3A_168 = arith.constant 16 : i32
      %mul3A_169 = arith.muli %scan3A_167, %mul3A_168 : i32
      %get3A_170 = arith.index_cast %mul3A_169 : i32 to index
      %get3A_171 = tpu.vector_load %arg7[%get3A_170] {strides = array<i32>} : memref<16384xi32, #tpu.memory_space<vmem>>, vector<16xi32>,
      %sub3A_172 = arith.subi %get3A_171, %broadcast_in_dim3A_71 : vector<16xi32>
      %bitcast3A_173 = vector.bitcast %sub3A_172 : vector<16xi32> to vector<16xi32>
      %min3A_174 = arith.minui %bitcast3A_173, %bitcast3A : vector<16xi32>
      %bitcast3A_175 = vector.bitcast %min3A_174 : vector<16xi32> to vector<16xi32>
      %get3A_176 = arith.index_cast %mul3A_169 : i32 to index
      %get3A_177 = tpu.vector_load %arg8[%get3A_176] {strides = array<i32>} : memref<16384xf32, #tpu.memory_space<vmem>>, vector<16xf32>,
      tpu.vector_store_idx %arg11[%bitcast3A_175], %get3A_177 : memref<62536xf32, #tpu.memory_space<vmem>>[vector<16xi32>], vector<16xf32>,
      %scan3A_178 = arith.constant 2 : i32
      %scan3A_179 = arith.addi %scan3A_156, %scan3A_178 : i32
      %mul3A_180 = arith.constant 16 : i32
      %mul3A_181 = arith.muli %scan3A_179, %mul3A_180 : i32
      %get3A_182 = arith.index_cast %mul3A_181 : i32 to index
      %get3A_183 = tpu.vector_load %arg7[%get3A_182] {strides = array<i32>} : memref<16384xi32, #tpu.memory_space<vmem>>, vector<16xi32>,
      %sub3A_184 = arith.subi %get3A_183, %broadcast_in_dim3A_71 : vector<16xi32>
      %bitcast3A_185 = vector.bitcast %sub3A_184 : vector<16xi32> to vector<16xi32>
      %min3A_186 = arith.minui %bitcast3A_185, %bitcast3A : vector<16xi32>
      %bitcast3A_187 = vector.bitcast %min3A_186 : vector<16xi32> to vector<16xi32>
      %get3A_188 = arith.index_cast %mul3A_181 : i32 to index
      %get3A_189 = tpu.vector_load %arg8[%get3A_188] {strides = array<i32>} : memref<16384xf32, #tpu.memory_space<vmem>>, vector<16xf32>,
      tpu.vector_store_idx %arg11[%bitcast3A_187], %get3A_189 : memref<62536xf32, #tpu.memory_space<vmem>>[vector<16xi32>], vector<16xf32>,
      %scan3A_190 = arith.constant 3 : i32
      %scan3A_191 = arith.addi %scan3A_156, %scan3A_190 : i32
      %mul3A_192 = arith.constant 16 : i32
      %mul3A_193 = arith.muli %scan3A_191, %mul3A_192 : i32
      %get3A_194 = arith.index_cast %mul3A_193 : i32 to index
      %get3A_195 = tpu.vector_load %arg7[%get3A_194] {strides = array<i32>} : memref<16384xi32, #tpu.memory_space<vmem>>, vector<16xi32>,
      %sub3A_196 = arith.subi %get3A_195, %broadcast_in_dim3A_71 : vector<16xi32>
      %bitcast3A_197 = vector.bitcast %sub3A_196 : vector<16xi32> to vector<16xi32>
      %min3A_198 = arith.minui %bitcast3A_197, %bitcast3A : vector<16xi32>
      %bitcast3A_199 = vector.bitcast %min3A_198 : vector<16xi32> to vector<16xi32>
      %get3A_200 = arith.index_cast %mul3A_193 : i32 to index
      %get3A_201 = tpu.vector_load %arg8[%get3A_200] {strides = array<i32>} : memref<16384xf32, #tpu.memory_space<vmem>>, vector<16xf32>,
      tpu.vector_store_idx %arg11[%bitcast3A_199], %get3A_201 : memref<62536xf32, #tpu.memory_space<vmem>>[vector<16xi32>], vector<16xf32>,
      %scan3A_202 = arith.constant 4 : i32
      %scan3A_203 = arith.addi %scan3A_156, %scan3A_202 : i32
      %mul3A_204 = arith.constant 16 : i32
      %mul3A_205 = arith.muli %scan3A_203, %mul3A_204 : i32
      %get3A_206 = arith.index_cast %mul3A_205 : i32 to index
      %get3A_207 = tpu.vector_load %arg7[%get3A_206] {strides = array<i32>} : memref<16384xi32, #tpu.memory_space<vmem>>, vector<16xi32>,
      %sub3A_208 = arith.subi %get3A_207, %broadcast_in_dim3A_71 : vector<16xi32>
      %bitcast3A_209 = vector.bitcast %sub3A_208 : vector<16xi32> to vector<16xi32>
      %min3A_210 = arith.minui %bitcast3A_209, %bitcast3A : vector<16xi32>
      %bitcast3A_211 = vector.bitcast %min3A_210 : vector<16xi32> to vector<16xi32>
      %get3A_212 = arith.index_cast %mul3A_205 : i32 to index
      %get3A_213 = tpu.vector_load %arg8[%get3A_212] {strides = array<i32>} : memref<16384xf32, #tpu.memory_space<vmem>>, vector<16xf32>,
      tpu.vector_store_idx %arg11[%bitcast3A_211], %get3A_213 : memref<62536xf32, #tpu.memory_space<vmem>>[vector<16xi32>], vector<16xf32>,
      %scan3A_214 = arith.constant 5 : i32
      %scan3A_215 = arith.addi %scan3A_156, %scan3A_214 : i32
      %mul3A_216 = arith.constant 16 : i32
      %mul3A_217 = arith.muli %scan3A_215, %mul3A_216 : i32
      %get3A_218 = arith.index_cast %mul3A_217 : i32 to index
      %get3A_219 = tpu.vector_load %arg7[%get3A_218] {strides = array<i32>} : memref<16384xi32, #tpu.memory_space<vmem>>, vector<16xi32>,
      %sub3A_220 = arith.subi %get3A_219, %broadcast_in_dim3A_71 : vector<16xi32>
      %bitcast3A_221 = vector.bitcast %sub3A_220 : vector<16xi32> to vector<16xi32>
      %min3A_222 = arith.minui %bitcast3A_221, %bitcast3A : vector<16xi32>
      %bitcast3A_223 = vector.bitcast %min3A_222 : vector<16xi32> to vector<16xi32>
      %get3A_224 = arith.index_cast %mul3A_217 : i32 to index
      %get3A_225 = tpu.vector_load %arg8[%get3A_224] {strides = array<i32>} : memref<16384xf32, #tpu.memory_space<vmem>>, vector<16xf32>,
      tpu.vector_store_idx %arg11[%bitcast3A_223], %get3A_225 : memref<62536xf32, #tpu.memory_space<vmem>>[vector<16xi32>], vector<16xf32>,
      %scan3A_226 = arith.constant 6 : i32
      %scan3A_227 = arith.addi %scan3A_156, %scan3A_226 : i32
      %mul3A_228 = arith.constant 16 : i32
      %mul3A_229 = arith.muli %scan3A_227, %mul3A_228 : i32
      %get3A_230 = arith.index_cast %mul3A_229 : i32 to index
      %get3A_231 = tpu.vector_load %arg7[%get3A_230] {strides = array<i32>} : memref<16384xi32, #tpu.memory_space<vmem>>, vector<16xi32>,
      %sub3A_232 = arith.subi %get3A_231, %broadcast_in_dim3A_71 : vector<16xi32>
      %bitcast3A_233 = vector.bitcast %sub3A_232 : vector<16xi32> to vector<16xi32>
      %min3A_234 = arith.minui %bitcast3A_233, %bitcast3A : vector<16xi32>
      %bitcast3A_235 = vector.bitcast %min3A_234 : vector<16xi32> to vector<16xi32>
      %get3A_236 = arith.index_cast %mul3A_229 : i32 to index
      %get3A_237 = tpu.vector_load %arg8[%get3A_236] {strides = array<i32>} : memref<16384xf32, #tpu.memory_space<vmem>>, vector<16xf32>,
      tpu.vector_store_idx %arg11[%bitcast3A_235], %get3A_237 : memref<62536xf32, #tpu.memory_space<vmem>>[vector<16xi32>], vector<16xf32>,
      %scan3A_238 = arith.constant 7 : i32
      %scan3A_239 = arith.addi %scan3A_156, %scan3A_238 : i32
      %mul3A_240 = arith.constant 16 : i32
      %mul3A_241 = arith.muli %scan3A_239, %mul3A_240 : i32
      %get3A_242 = arith.index_cast %mul3A_241 : i32 to index
      %get3A_243 = tpu.vector_load %arg7[%get3A_242] {strides = array<i32>} : memref<16384xi32, #tpu.memory_space<vmem>>, vector<16xi32>,
      %sub3A_244 = arith.subi %get3A_243, %broadcast_in_dim3A_71 : vector<16xi32>
      %bitcast3A_245 = vector.bitcast %sub3A_244 : vector<16xi32> to vector<16xi32>
      %min3A_246 = arith.minui %bitcast3A_245, %bitcast3A : vector<16xi32>
      %bitcast3A_247 = vector.bitcast %min3A_246 : vector<16xi32> to vector<16xi32>
      %get3A_248 = arith.index_cast %mul3A_241 : i32 to index
      %get3A_249 = tpu.vector_load %arg8[%get3A_248] {strides = array<i32>} : memref<16384xf32, #tpu.memory_space<vmem>>, vector<16xf32>,
      tpu.vector_store_idx %arg11[%bitcast3A_247], %get3A_249 : memref<62536xf32, #tpu.memory_space<vmem>>[vector<16xi32>], vector<16xf32>,
    }
    %scan3A_86 = arith.constant 1024 : i32
    %lt3A_87 = arith.constant 15 : i32
    %lt3A_88 = arith.cmpi slt, %arg1, %lt3A_87 : i32
    %convert_element_type3A_89 = arith.extui %lt3A_88 : i1 to i32
    %cond3A_90 = arith.constant 0 : i32
    %cond3A_91 = arith.cmpi ne, %convert_element_type3A_89, %cond3A_90 : i32
    scf.if %cond3A_91 {
      %dma_start3A_156 = arith.constant 8 : i32
      %dma_start3A_157 = tpu.memref_slice %arg11[%dma_start3A_156] : memref<62536xf32, #tpu.memory_space<vmem>> -> memref<62504xf32, #tpu.memory_space<vmem>>
      %dma_start3A_158 = tpu.memref_slice %arg6[%mul3A_0] : memref<1000000xf32, #tpu.memory_space<hbm>> -> memref<62504xf32, #tpu.memory_space<hbm>>
      %dma_start3A_159 = tpu.memref_slice %arg6[%mul3A_0] : memref<1000000xf32, #tpu.memory_space<hbm>> -> memref<62504xf32, #tpu.memory_space<hbm>>
      %dma_start3A_160 = arith.constant 8 : i32
      %dma_start3A_161 = tpu.memref_slice %arg11[%dma_start3A_160] : memref<62536xf32, #tpu.memory_space<vmem>> -> memref<62504xf32, #tpu.memory_space<vmem>>
      tpu.enqueue_dma source(%dma_start3A_161 : memref<62504xf32, #tpu.memory_space<vmem>>) target(%dma_start3A_159 : memref<62504xf32, #tpu.memory_space<hbm>>) target_semaphore(%arg14 : memref<!tpu.dma_semaphore, #tpu.memory_space<semaphore_mem>>)
    } else {
    }
    %eq3A_92 = arith.constant 15 : i32
    %eq3A_93 = arith.cmpi eq, %arg1, %eq3A_92 : i32
    %convert_element_type3A_94 = arith.extui %eq3A_93 : i1 to i32
    %cond3A_95 = arith.constant 0 : i32
    %cond3A_96 = arith.cmpi ne, %convert_element_type3A_94, %cond3A_95 : i32
    scf.if %cond3A_96 {
      %dma_start3A_156 = arith.constant 8 : i32
      %dma_start3A_157 = tpu.memref_slice %arg11[%dma_start3A_156] : memref<62536xf32, #tpu.memory_space<vmem>> -> memref<62440xf32, #tpu.memory_space<vmem>>
      %dma_start3A_158 = tpu.memref_slice %arg6[%mul3A_0] : memref<1000000xf32, #tpu.memory_space<hbm>> -> memref<62440xf32, #tpu.memory_space<hbm>>
      %dma_start3A_159 = tpu.memref_slice %arg6[%mul3A_0] : memref<1000000xf32, #tpu.memory_space<hbm>> -> memref<62440xf32, #tpu.memory_space<hbm>>
      %dma_start3A_160 = arith.constant 8 : i32
      %dma_start3A_161 = tpu.memref_slice %arg11[%dma_start3A_160] : memref<62536xf32, #tpu.memory_space<vmem>> -> memref<62440xf32, #tpu.memory_space<vmem>>
      tpu.enqueue_dma source(%dma_start3A_161 : memref<62440xf32, #tpu.memory_space<vmem>>) target(%dma_start3A_159 : memref<62440xf32, #tpu.memory_space<hbm>>) target_semaphore(%arg14 : memref<!tpu.dma_semaphore, #tpu.memory_space<semaphore_mem>>)
    } else {
    }
    %dma_wait3A = arith.constant 0 : i32
    %dma_wait3A_97 = tpu.memref_slice %arg9[%dma_wait3A] : memref<1024xf32, #tpu.memory_space<vmem>> -> memref<128xf32, #tpu.memory_space<vmem>>
    %dma_wait3A_98 = tpu.memref_slice %arg7[%add3A_9] : memref<16384xi32, #tpu.memory_space<vmem>> -> memref<128xi32, #tpu.memory_space<vmem>>
    %dma_wait3A_99 = arith.constant 0 : i32
    %dma_wait3A_100 = tpu.memref_slice %arg4[%dma_wait3A_99] : memref<1000000xf32, #tpu.memory_space<hbm>> -> memref<1000000xf32, #tpu.memory_space<hbm>>
    tpu.wait_indirect_dma semaphore(%arg12 : memref<!tpu.dma_semaphore, #tpu.memory_space<semaphore_mem>>) src(%dma_wait3A_100 : memref<1000000xf32, #tpu.memory_space<hbm>>) dst(%dma_wait3A_97 : memref<128xf32, #tpu.memory_space<vmem>>)
    %dma_wait3A_101 = arith.constant 128 : i32
    %dma_wait3A_102 = tpu.memref_slice %arg9[%dma_wait3A_101] : memref<1024xf32, #tpu.memory_space<vmem>> -> memref<128xf32, #tpu.memory_space<vmem>>
    %dma_wait3A_103 = tpu.memref_slice %arg7[%add3A_15] : memref<16384xi32, #tpu.memory_space<vmem>> -> memref<128xi32, #tpu.memory_space<vmem>>
    %dma_wait3A_104 = arith.constant 0 : i32
    %dma_wait3A_105 = tpu.memref_slice %arg4[%dma_wait3A_104] : memref<1000000xf32, #tpu.memory_space<hbm>> -> memref<1000000xf32, #tpu.memory_space<hbm>>
    tpu.wait_indirect_dma semaphore(%arg12 : memref<!tpu.dma_semaphore, #tpu.memory_space<semaphore_mem>>) src(%dma_wait3A_105 : memref<1000000xf32, #tpu.memory_space<hbm>>) dst(%dma_wait3A_102 : memref<128xf32, #tpu.memory_space<vmem>>)
    %dma_wait3A_106 = arith.constant 256 : i32
    %dma_wait3A_107 = tpu.memref_slice %arg9[%dma_wait3A_106] : memref<1024xf32, #tpu.memory_space<vmem>> -> memref<128xf32, #tpu.memory_space<vmem>>
    %dma_wait3A_108 = tpu.memref_slice %arg7[%add3A_22] : memref<16384xi32, #tpu.memory_space<vmem>> -> memref<128xi32, #tpu.memory_space<vmem>>
    %dma_wait3A_109 = arith.constant 0 : i32
    %dma_wait3A_110 = tpu.memref_slice %arg4[%dma_wait3A_109] : memref<1000000xf32, #tpu.memory_space<hbm>> -> memref<1000000xf32, #tpu.memory_space<hbm>>
    tpu.wait_indirect_dma semaphore(%arg12 : memref<!tpu.dma_semaphore, #tpu.memory_space<semaphore_mem>>) src(%dma_wait3A_110 : memref<1000000xf32, #tpu.memory_space<hbm>>) dst(%dma_wait3A_107 : memref<128xf32, #tpu.memory_space<vmem>>)
    %dma_wait3A_111 = arith.constant 384 : i32
    %dma_wait3A_112 = tpu.memref_slice %arg9[%dma_wait3A_111] : memref<1024xf32, #tpu.memory_space<vmem>> -> memref<128xf32, #tpu.memory_space<vmem>>
    %dma_wait3A_113 = tpu.memref_slice %arg7[%add3A_29] : memref<16384xi32, #tpu.memory_space<vmem>> -> memref<128xi32, #tpu.memory_space<vmem>>
    %dma_wait3A_114 = arith.constant 0 : i32
    %dma_wait3A_115 = tpu.memref_slice %arg4[%dma_wait3A_114] : memref<1000000xf32, #tpu.memory_space<hbm>> -> memref<1000000xf32, #tpu.memory_space<hbm>>
    tpu.wait_indirect_dma semaphore(%arg12 : memref<!tpu.dma_semaphore, #tpu.memory_space<semaphore_mem>>) src(%dma_wait3A_115 : memref<1000000xf32, #tpu.memory_space<hbm>>) dst(%dma_wait3A_112 : memref<128xf32, #tpu.memory_space<vmem>>)
    %dma_wait3A_116 = arith.constant 512 : i32
    %dma_wait3A_117 = tpu.memref_slice %arg9[%dma_wait3A_116] : memref<1024xf32, #tpu.memory_space<vmem>> -> memref<128xf32, #tpu.memory_space<vmem>>
    %dma_wait3A_118 = tpu.memref_slice %arg7[%add3A_36] : memref<16384xi32, #tpu.memory_space<vmem>> -> memref<128xi32, #tpu.memory_space<vmem>>
    %dma_wait3A_119 = arith.constant 0 : i32
    %dma_wait3A_120 = tpu.memref_slice %arg4[%dma_wait3A_119] : memref<1000000xf32, #tpu.memory_space<hbm>> -> memref<1000000xf32, #tpu.memory_space<hbm>>
    tpu.wait_indirect_dma semaphore(%arg12 : memref<!tpu.dma_semaphore, #tpu.memory_space<semaphore_mem>>) src(%dma_wait3A_120 : memref<1000000xf32, #tpu.memory_space<hbm>>) dst(%dma_wait3A_117 : memref<128xf32, #tpu.memory_space<vmem>>)
    %dma_wait3A_121 = arith.constant 640 : i32
    %dma_wait3A_122 = tpu.memref_slice %arg9[%dma_wait3A_121] : memref<1024xf32, #tpu.memory_space<vmem>> -> memref<128xf32, #tpu.memory_space<vmem>>
    %dma_wait3A_123 = tpu.memref_slice %arg7[%add3A_43] : memref<16384xi32, #tpu.memory_space<vmem>> -> memref<128xi32, #tpu.memory_space<vmem>>
    %dma_wait3A_124 = arith.constant 0 : i32
    %dma_wait3A_125 = tpu.memref_slice %arg4[%dma_wait3A_124] : memref<1000000xf32, #tpu.memory_space<hbm>> -> memref<1000000xf32, #tpu.memory_space<hbm>>
    tpu.wait_indirect_dma semaphore(%arg12 : memref<!tpu.dma_semaphore, #tpu.memory_space<semaphore_mem>>) src(%dma_wait3A_125 : memref<1000000xf32, #tpu.memory_space<hbm>>) dst(%dma_wait3A_122 : memref<128xf32, #tpu.memory_space<vmem>>)
    %dma_wait3A_126 = arith.constant 768 : i32
    %dma_wait3A_127 = tpu.memref_slice %arg9[%dma_wait3A_126] : memref<1024xf32, #tpu.memory_space<vmem>> -> memref<128xf32, #tpu.memory_space<vmem>>
    %dma_wait3A_128 = tpu.memref_slice %arg7[%add3A_50] : memref<16384xi32, #tpu.memory_space<vmem>> -> memref<128xi32, #tpu.memory_space<vmem>>
    %dma_wait3A_129 = arith.constant 0 : i32
    %dma_wait3A_130 = tpu.memref_slice %arg4[%dma_wait3A_129] : memref<1000000xf32, #tpu.memory_space<hbm>> -> memref<1000000xf32, #tpu.memory_space<hbm>>
    tpu.wait_indirect_dma semaphore(%arg12 : memref<!tpu.dma_semaphore, #tpu.memory_space<semaphore_mem>>) src(%dma_wait3A_130 : memref<1000000xf32, #tpu.memory_space<hbm>>) dst(%dma_wait3A_127 : memref<128xf32, #tpu.memory_space<vmem>>)
    %dma_wait3A_131 = arith.constant 896 : i32
    %dma_wait3A_132 = tpu.memref_slice %arg9[%dma_wait3A_131] : memref<1024xf32, #tpu.memory_space<vmem>> -> memref<128xf32, #tpu.memory_space<vmem>>
    %dma_wait3A_133 = tpu.memref_slice %arg7[%add3A_57] : memref<16384xi32, #tpu.memory_space<vmem>> -> memref<128xi32, #tpu.memory_space<vmem>>
    %dma_wait3A_134 = arith.constant 0 : i32
    %dma_wait3A_135 = tpu.memref_slice %arg4[%dma_wait3A_134] : memref<1000000xf32, #tpu.memory_space<hbm>> -> memref<1000000xf32, #tpu.memory_space<hbm>>
    tpu.wait_indirect_dma semaphore(%arg12 : memref<!tpu.dma_semaphore, #tpu.memory_space<semaphore_mem>>) src(%dma_wait3A_135 : memref<1000000xf32, #tpu.memory_space<hbm>>) dst(%dma_wait3A_132 : memref<128xf32, #tpu.memory_space<vmem>>)
    %broadcast_in_dim3A_136 = arith.constant 1.000000e+00 : f32
    %broadcast_in_dim3A_137 = vector.broadcast %broadcast_in_dim3A_136 : f32 to vector<16xf32>
    %broadcast_in_dim3A_138 = arith.constant 0.000000e+00 : f32
    %broadcast_in_dim3A_139 = vector.broadcast %broadcast_in_dim3A_138 : f32 to vector<16xf32>
    %scan3A_140 = arith.constant 0 : i32
    %scan3A_141 = arith.constant 0 : i32
    %scan3A_142 = arith.constant 64 : i32
    %scan3A_143 = arith.addi %scan3A_141, %scan3A_142 : i32
    %scan3A_144 = arith.constant 8 : i32
    scf.for %scan3A_156 = %scan3A_141 to %scan3A_143 step %scan3A_144  : i32 {
      %mul3A_157 = arith.constant 16 : i32
      %mul3A_158 = arith.muli %scan3A_156, %mul3A_157 : i32
      %get3A = arith.index_cast %mul3A_158 : i32 to index
      %get3A_159 = tpu.vector_load %arg9[%get3A] {strides = array<i32>} : memref<1024xf32, #tpu.memory_space<vmem>>, vector<16xf32>,
      %mul3A_160 = arith.constant 16 : i32
      %mul3A_161 = arith.muli %scan3A_156, %mul3A_160 : i32
      %add3A_162 = arith.addi %mul3A_2, %mul3A_161 : i32
      %get3A_163 = arith.index_cast %add3A_162 : i32 to index
      %get3A_164 = tpu.vector_load %arg8[%get3A_163] {strides = array<i32>} : memref<16384xf32, #tpu.memory_space<vmem>>, vector<16xf32>,
      %ge3A = arith.constant 0.000000e+00 : f32
      %ge3A_165 = vector.broadcast %ge3A : f32 to vector<16xf32>
      %ge3A_166 = arith.cmpf oge, %get3A_159, %ge3A_165 : vector<16xf32>
      %sub3A_167 = arith.subf %get3A_164, %get3A_159 : vector<16xf32>
      %select_n3A = arith.select %ge3A_166, %sub3A_167, %broadcast_in_dim3A_137 : vector<16xi1>, vector<16xf32>
      %max3A = arith.maximumf %select_n3A, %broadcast_in_dim3A_139 : vector<16xf32>
      %mul3A_168 = arith.constant 16 : i32
      %mul3A_169 = arith.muli %scan3A_156, %mul3A_168 : i32
      %swap3A = arith.index_cast %mul3A_169 : i32 to index
      %swap3A_170 = tpu.vector_load %arg10[%swap3A] {strides = array<i32>} : memref<1024xf32, #tpu.memory_space<vmem>>, vector<16xf32>,
      tpu.vector_store %arg10[%swap3A], %max3A {strides = array<i32>} : memref<1024xf32, #tpu.memory_space<vmem>>, vector<16xf32>,
      %scan3A_171 = arith.constant 1 : i32
      %scan3A_172 = arith.addi %scan3A_156, %scan3A_171 : i32
      %mul3A_173 = arith.constant 16 : i32
      %mul3A_174 = arith.muli %scan3A_172, %mul3A_173 : i32
      %get3A_175 = arith.index_cast %mul3A_174 : i32 to index
      %get3A_176 = tpu.vector_load %arg9[%get3A_175] {strides = array<i32>} : memref<1024xf32, #tpu.memory_space<vmem>>, vector<16xf32>,
      %mul3A_177 = arith.constant 16 : i32
      %mul3A_178 = arith.muli %scan3A_172, %mul3A_177 : i32
      %add3A_179 = arith.addi %mul3A_2, %mul3A_178 : i32
      %get3A_180 = arith.index_cast %add3A_179 : i32 to index
      %get3A_181 = tpu.vector_load %arg8[%get3A_180] {strides = array<i32>} : memref<16384xf32, #tpu.memory_space<vmem>>, vector<16xf32>,
      %ge3A_182 = arith.constant 0.000000e+00 : f32
      %ge3A_183 = vector.broadcast %ge3A_182 : f32 to vector<16xf32>
      %ge3A_184 = arith.cmpf oge, %get3A_176, %ge3A_183 : vector<16xf32>
      %sub3A_185 = arith.subf %get3A_181, %get3A_176 : vector<16xf32>
      %select_n3A_186 = arith.select %ge3A_184, %sub3A_185, %broadcast_in_dim3A_137 : vector<16xi1>, vector<16xf32>
      %max3A_187 = arith.maximumf %select_n3A_186, %broadcast_in_dim3A_139 : vector<16xf32>
      %mul3A_188 = arith.constant 16 : i32
      %mul3A_189 = arith.muli %scan3A_172, %mul3A_188 : i32
      %swap3A_190 = arith.index_cast %mul3A_189 : i32 to index
      %swap3A_191 = tpu.vector_load %arg10[%swap3A_190] {strides = array<i32>} : memref<1024xf32, #tpu.memory_space<vmem>>, vector<16xf32>,
      tpu.vector_store %arg10[%swap3A_190], %max3A_187 {strides = array<i32>} : memref<1024xf32, #tpu.memory_space<vmem>>, vector<16xf32>,
      %scan3A_192 = arith.constant 2 : i32
      %scan3A_193 = arith.addi %scan3A_156, %scan3A_192 : i32
      %mul3A_194 = arith.constant 16 : i32
      %mul3A_195 = arith.muli %scan3A_193, %mul3A_194 : i32
      %get3A_196 = arith.index_cast %mul3A_195 : i32 to index
      %get3A_197 = tpu.vector_load %arg9[%get3A_196] {strides = array<i32>} : memref<1024xf32, #tpu.memory_space<vmem>>, vector<16xf32>,
      %mul3A_198 = arith.constant 16 : i32
      %mul3A_199 = arith.muli %scan3A_193, %mul3A_198 : i32
      %add3A_200 = arith.addi %mul3A_2, %mul3A_199 : i32
      %get3A_201 = arith.index_cast %add3A_200 : i32 to index
      %get3A_202 = tpu.vector_load %arg8[%get3A_201] {strides = array<i32>} : memref<16384xf32, #tpu.memory_space<vmem>>, vector<16xf32>,
      %ge3A_203 = arith.constant 0.000000e+00 : f32
      %ge3A_204 = vector.broadcast %ge3A_203 : f32 to vector<16xf32>
      %ge3A_205 = arith.cmpf oge, %get3A_197, %ge3A_204 : vector<16xf32>
      %sub3A_206 = arith.subf %get3A_202, %get3A_197 : vector<16xf32>
      %select_n3A_207 = arith.select %ge3A_205, %sub3A_206, %broadcast_in_dim3A_137 : vector<16xi1>, vector<16xf32>
      %max3A_208 = arith.maximumf %select_n3A_207, %broadcast_in_dim3A_139 : vector<16xf32>
      %mul3A_209 = arith.constant 16 : i32
      %mul3A_210 = arith.muli %scan3A_193, %mul3A_209 : i32
      %swap3A_211 = arith.index_cast %mul3A_210 : i32 to index
      %swap3A_212 = tpu.vector_load %arg10[%swap3A_211] {strides = array<i32>} : memref<1024xf32, #tpu.memory_space<vmem>>, vector<16xf32>,
      tpu.vector_store %arg10[%swap3A_211], %max3A_208 {strides = array<i32>} : memref<1024xf32, #tpu.memory_space<vmem>>, vector<16xf32>,
      %scan3A_213 = arith.constant 3 : i32
      %scan3A_214 = arith.addi %scan3A_156, %scan3A_213 : i32
      %mul3A_215 = arith.constant 16 : i32
      %mul3A_216 = arith.muli %scan3A_214, %mul3A_215 : i32
      %get3A_217 = arith.index_cast %mul3A_216 : i32 to index
      %get3A_218 = tpu.vector_load %arg9[%get3A_217] {strides = array<i32>} : memref<1024xf32, #tpu.memory_space<vmem>>, vector<16xf32>,
      %mul3A_219 = arith.constant 16 : i32
      %mul3A_220 = arith.muli %scan3A_214, %mul3A_219 : i32
      %add3A_221 = arith.addi %mul3A_2, %mul3A_220 : i32
      %get3A_222 = arith.index_cast %add3A_221 : i32 to index
      %get3A_223 = tpu.vector_load %arg8[%get3A_222] {strides = array<i32>} : memref<16384xf32, #tpu.memory_space<vmem>>, vector<16xf32>,
      %ge3A_224 = arith.constant 0.000000e+00 : f32
      %ge3A_225 = vector.broadcast %ge3A_224 : f32 to vector<16xf32>
      %ge3A_226 = arith.cmpf oge, %get3A_218, %ge3A_225 : vector<16xf32>
      %sub3A_227 = arith.subf %get3A_223, %get3A_218 : vector<16xf32>
      %select_n3A_228 = arith.select %ge3A_226, %sub3A_227, %broadcast_in_dim3A_137 : vector<16xi1>, vector<16xf32>
      %max3A_229 = arith.maximumf %select_n3A_228, %broadcast_in_dim3A_139 : vector<16xf32>
      %mul3A_230 = arith.constant 16 : i32
      %mul3A_231 = arith.muli %scan3A_214, %mul3A_230 : i32
      %swap3A_232 = arith.index_cast %mul3A_231 : i32 to index
      %swap3A_233 = tpu.vector_load %arg10[%swap3A_232] {strides = array<i32>} : memref<1024xf32, #tpu.memory_space<vmem>>, vector<16xf32>,
      tpu.vector_store %arg10[%swap3A_232], %max3A_229 {strides = array<i32>} : memref<1024xf32, #tpu.memory_space<vmem>>, vector<16xf32>,
      %scan3A_234 = arith.constant 4 : i32
      %scan3A_235 = arith.addi %scan3A_156, %scan3A_234 : i32
      %mul3A_236 = arith.constant 16 : i32
      %mul3A_237 = arith.muli %scan3A_235, %mul3A_236 : i32
      %get3A_238 = arith.index_cast %mul3A_237 : i32 to index
      %get3A_239 = tpu.vector_load %arg9[%get3A_238] {strides = array<i32>} : memref<1024xf32, #tpu.memory_space<vmem>>, vector<16xf32>,
      %mul3A_240 = arith.constant 16 : i32
      %mul3A_241 = arith.muli %scan3A_235, %mul3A_240 : i32
      %add3A_242 = arith.addi %mul3A_2, %mul3A_241 : i32
      %get3A_243 = arith.index_cast %add3A_242 : i32 to index
      %get3A_244 = tpu.vector_load %arg8[%get3A_243] {strides = array<i32>} : memref<16384xf32, #tpu.memory_space<vmem>>, vector<16xf32>,
      %ge3A_245 = arith.constant 0.000000e+00 : f32
      %ge3A_246 = vector.broadcast %ge3A_245 : f32 to vector<16xf32>
      %ge3A_247 = arith.cmpf oge, %get3A_239, %ge3A_246 : vector<16xf32>
      %sub3A_248 = arith.subf %get3A_244, %get3A_239 : vector<16xf32>
      %select_n3A_249 = arith.select %ge3A_247, %sub3A_248, %broadcast_in_dim3A_137 : vector<16xi1>, vector<16xf32>
      %max3A_250 = arith.maximumf %select_n3A_249, %broadcast_in_dim3A_139 : vector<16xf32>
      %mul3A_251 = arith.constant 16 : i32
      %mul3A_252 = arith.muli %scan3A_235, %mul3A_251 : i32
      %swap3A_253 = arith.index_cast %mul3A_252 : i32 to index
      %swap3A_254 = tpu.vector_load %arg10[%swap3A_253] {strides = array<i32>} : memref<1024xf32, #tpu.memory_space<vmem>>, vector<16xf32>,
      tpu.vector_store %arg10[%swap3A_253], %max3A_250 {strides = array<i32>} : memref<1024xf32, #tpu.memory_space<vmem>>, vector<16xf32>,
      %scan3A_255 = arith.constant 5 : i32
      %scan3A_256 = arith.addi %scan3A_156, %scan3A_255 : i32
      %mul3A_257 = arith.constant 16 : i32
      %mul3A_258 = arith.muli %scan3A_256, %mul3A_257 : i32
      %get3A_259 = arith.index_cast %mul3A_258 : i32 to index
      %get3A_260 = tpu.vector_load %arg9[%get3A_259] {strides = array<i32>} : memref<1024xf32, #tpu.memory_space<vmem>>, vector<16xf32>,
      %mul3A_261 = arith.constant 16 : i32
      %mul3A_262 = arith.muli %scan3A_256, %mul3A_261 : i32
      %add3A_263 = arith.addi %mul3A_2, %mul3A_262 : i32
      %get3A_264 = arith.index_cast %add3A_263 : i32 to index
      %get3A_265 = tpu.vector_load %arg8[%get3A_264] {strides = array<i32>} : memref<16384xf32, #tpu.memory_space<vmem>>, vector<16xf32>,
      %ge3A_266 = arith.constant 0.000000e+00 : f32
      %ge3A_267 = vector.broadcast %ge3A_266 : f32 to vector<16xf32>
      %ge3A_268 = arith.cmpf oge, %get3A_260, %ge3A_267 : vector<16xf32>
      %sub3A_269 = arith.subf %get3A_265, %get3A_260 : vector<16xf32>
      %select_n3A_270 = arith.select %ge3A_268, %sub3A_269, %broadcast_in_dim3A_137 : vector<16xi1>, vector<16xf32>
      %max3A_271 = arith.maximumf %select_n3A_270, %broadcast_in_dim3A_139 : vector<16xf32>
      %mul3A_272 = arith.constant 16 : i32
      %mul3A_273 = arith.muli %scan3A_256, %mul3A_272 : i32
      %swap3A_274 = arith.index_cast %mul3A_273 : i32 to index
      %swap3A_275 = tpu.vector_load %arg10[%swap3A_274] {strides = array<i32>} : memref<1024xf32, #tpu.memory_space<vmem>>, vector<16xf32>,
      tpu.vector_store %arg10[%swap3A_274], %max3A_271 {strides = array<i32>} : memref<1024xf32, #tpu.memory_space<vmem>>, vector<16xf32>,
      %scan3A_276 = arith.constant 6 : i32
      %scan3A_277 = arith.addi %scan3A_156, %scan3A_276 : i32
      %mul3A_278 = arith.constant 16 : i32
      %mul3A_279 = arith.muli %scan3A_277, %mul3A_278 : i32
      %get3A_280 = arith.index_cast %mul3A_279 : i32 to index
      %get3A_281 = tpu.vector_load %arg9[%get3A_280] {strides = array<i32>} : memref<1024xf32, #tpu.memory_space<vmem>>, vector<16xf32>,
      %mul3A_282 = arith.constant 16 : i32
      %mul3A_283 = arith.muli %scan3A_277, %mul3A_282 : i32
      %add3A_284 = arith.addi %mul3A_2, %mul3A_283 : i32
      %get3A_285 = arith.index_cast %add3A_284 : i32 to index
      %get3A_286 = tpu.vector_load %arg8[%get3A_285] {strides = array<i32>} : memref<16384xf32, #tpu.memory_space<vmem>>, vector<16xf32>,
      %ge3A_287 = arith.constant 0.000000e+00 : f32
      %ge3A_288 = vector.broadcast %ge3A_287 : f32 to vector<16xf32>
      %ge3A_289 = arith.cmpf oge, %get3A_281, %ge3A_288 : vector<16xf32>
      %sub3A_290 = arith.subf %get3A_286, %get3A_281 : vector<16xf32>
      %select_n3A_291 = arith.select %ge3A_289, %sub3A_290, %broadcast_in_dim3A_137 : vector<16xi1>, vector<16xf32>
      %max3A_292 = arith.maximumf %select_n3A_291, %broadcast_in_dim3A_139 : vector<16xf32>
      %mul3A_293 = arith.constant 16 : i32
      %mul3A_294 = arith.muli %scan3A_277, %mul3A_293 : i32
      %swap3A_295 = arith.index_cast %mul3A_294 : i32 to index
      %swap3A_296 = tpu.vector_load %arg10[%swap3A_295] {strides = array<i32>} : memref<1024xf32, #tpu.memory_space<vmem>>, vector<16xf32>,
      tpu.vector_store %arg10[%swap3A_295], %max3A_292 {strides = array<i32>} : memref<1024xf32, #tpu.memory_space<vmem>>, vector<16xf32>,
      %scan3A_297 = arith.constant 7 : i32
      %scan3A_298 = arith.addi %scan3A_156, %scan3A_297 : i32
      %mul3A_299 = arith.constant 16 : i32
      %mul3A_300 = arith.muli %scan3A_298, %mul3A_299 : i32
      %get3A_301 = arith.index_cast %mul3A_300 : i32 to index
      %get3A_302 = tpu.vector_load %arg9[%get3A_301] {strides = array<i32>} : memref<1024xf32, #tpu.memory_space<vmem>>, vector<16xf32>,
      %mul3A_303 = arith.constant 16 : i32
      %mul3A_304 = arith.muli %scan3A_298, %mul3A_303 : i32
      %add3A_305 = arith.addi %mul3A_2, %mul3A_304 : i32
      %get3A_306 = arith.index_cast %add3A_305 : i32 to index
      %get3A_307 = tpu.vector_load %arg8[%get3A_306] {strides = array<i32>} : memref<16384xf32, #tpu.memory_space<vmem>>, vector<16xf32>,
      %ge3A_308 = arith.constant 0.000000e+00 : f32
      %ge3A_309 = vector.broadcast %ge3A_308 : f32 to vector<16xf32>
      %ge3A_310 = arith.cmpf oge, %get3A_302, %ge3A_309 : vector<16xf32>
      %sub3A_311 = arith.subf %get3A_307, %get3A_302 : vector<16xf32>
      %select_n3A_312 = arith.select %ge3A_310, %sub3A_311, %broadcast_in_dim3A_137 : vector<16xi1>, vector<16xf32>
      %max3A_313 = arith.maximumf %select_n3A_312, %broadcast_in_dim3A_139 : vector<16xf32>
      %mul3A_314 = arith.constant 16 : i32
      %mul3A_315 = arith.muli %scan3A_298, %mul3A_314 : i32
      %swap3A_316 = arith.index_cast %mul3A_315 : i32 to index
      %swap3A_317 = tpu.vector_load %arg10[%swap3A_316] {strides = array<i32>} : memref<1024xf32, #tpu.memory_space<vmem>>, vector<16xf32>,
      tpu.vector_store %arg10[%swap3A_316], %max3A_313 {strides = array<i32>} : memref<1024xf32, #tpu.memory_space<vmem>>, vector<16xf32>,
    }
    %scan3A_145 = arith.constant 64 : i32
    "tpu.region"() ({
      %run_scoped3A = tpu.sem_alloc : memref<!tpu.dma_semaphore, #tpu.memory_space<semaphore_mem>>
      %dma_start3A_156 = tpu.memref_slice %arg5[%mul3A_2] : memref<16384xf32, #tpu.memory_space<hbm>> -> memref<1024xf32, #tpu.memory_space<hbm>>
      %dma_start3A_157 = tpu.memref_slice %arg5[%mul3A_2] : memref<16384xf32, #tpu.memory_space<hbm>> -> memref<1024xf32, #tpu.memory_space<hbm>>
      tpu.enqueue_dma source(%arg10 : memref<1024xf32, #tpu.memory_space<vmem>>) target(%dma_start3A_157 : memref<1024xf32, #tpu.memory_space<hbm>>) target_semaphore(%run_scoped3A : memref<!tpu.dma_semaphore, #tpu.memory_space<semaphore_mem>>)
      %dma_wait3A_158 = tpu.memref_slice %arg5[%mul3A_2] : memref<16384xf32, #tpu.memory_space<hbm>> -> memref<1024xf32, #tpu.memory_space<hbm>>
      %dma_wait3A_159 = tpu.memref_slice %arg5[%mul3A_2] : memref<16384xf32, #tpu.memory_space<hbm>> -> memref<1024xf32, #tpu.memory_space<hbm>>
      tpu.wait_dma2 semaphore(%run_scoped3A : memref<!tpu.dma_semaphore, #tpu.memory_space<semaphore_mem>>) src(%arg10 : memref<1024xf32, #tpu.memory_space<vmem>>) dst(%dma_wait3A_159 : memref<1024xf32, #tpu.memory_space<hbm>>)
      tpu.yield
    }) : () -> ()
    %lt3A_146 = arith.constant 15 : i32
    %lt3A_147 = arith.cmpi slt, %arg1, %lt3A_146 : i32
    %convert_element_type3A_148 = arith.extui %lt3A_147 : i1 to i32
    %cond3A_149 = arith.constant 0 : i32
    %cond3A_150 = arith.cmpi ne, %convert_element_type3A_148, %cond3A_149 : i32
    scf.if %cond3A_150 {
      %dma_wait3A_156 = arith.constant 8 : i32
      %dma_wait3A_157 = tpu.memref_slice %arg11[%dma_wait3A_156] : memref<62536xf32, #tpu.memory_space<vmem>> -> memref<62504xf32, #tpu.memory_space<vmem>>
      %dma_wait3A_158 = tpu.memref_slice %arg6[%mul3A_0] : memref<1000000xf32, #tpu.memory_space<hbm>> -> memref<62504xf32, #tpu.memory_space<hbm>>
      %dma_wait3A_159 = tpu.memref_slice %arg6[%mul3A_0] : memref<1000000xf32, #tpu.memory_space<hbm>> -> memref<62504xf32, #tpu.memory_space<hbm>>
      %dma_wait3A_160 = arith.constant 8 : i32
      %dma_wait3A_161 = tpu.memref_slice %arg11[%dma_wait3A_160] : memref<62536xf32, #tpu.memory_space<vmem>> -> memref<62504xf32, #tpu.memory_space<vmem>>
      tpu.wait_dma2 semaphore(%arg14 : memref<!tpu.dma_semaphore, #tpu.memory_space<semaphore_mem>>) src(%dma_wait3A_161 : memref<62504xf32, #tpu.memory_space<vmem>>) dst(%dma_wait3A_159 : memref<62504xf32, #tpu.memory_space<hbm>>)
    } else {
    }
    %eq3A_151 = arith.constant 15 : i32
    %eq3A_152 = arith.cmpi eq, %arg1, %eq3A_151 : i32
    %convert_element_type3A_153 = arith.extui %eq3A_152 : i1 to i32
    %cond3A_154 = arith.constant 0 : i32
    %cond3A_155 = arith.cmpi ne, %convert_element_type3A_153, %cond3A_154 : i32
    scf.if %cond3A_155 {
      %dma_wait3A_156 = arith.constant 8 : i32
      %dma_wait3A_157 = tpu.memref_slice %arg11[%dma_wait3A_156] : memref<62536xf32, #tpu.memory_space<vmem>> -> memref<62440xf32, #tpu.memory_space<vmem>>
      %dma_wait3A_158 = tpu.memref_slice %arg6[%mul3A_0] : memref<1000000xf32, #tpu.memory_space<hbm>> -> memref<62440xf32, #tpu.memory_space<hbm>>
      %dma_wait3A_159 = tpu.memref_slice %arg6[%mul3A_0] : memref<1000000xf32, #tpu.memory_space<hbm>> -> memref<62440xf32, #tpu.memory_space<hbm>>
      %dma_wait3A_160 = arith.constant 8 : i32
      %dma_wait3A_161 = tpu.memref_slice %arg11[%dma_wait3A_160] : memref<62536xf32, #tpu.memory_space<vmem>> -> memref<62440xf32, #tpu.memory_space<vmem>>
      tpu.wait_dma2 semaphore(%arg14 : memref<!tpu.dma_semaphore, #tpu.memory_space<semaphore_mem>>) src(%dma_wait3A_161 : memref<62440xf32, #tpu.memory_space<vmem>>) dst(%dma_wait3A_159 : memref<62440xf32, #tpu.memory_space<hbm>>)
    } else {
    }
    return
  }
}

</mosaic_0001>

<sc_bundles>
// kernel: kernel.3.cloned.1.call-start
scs
__scs_entry_jumppad:
0x0: {  	(pc) =	sbr.rel $0x88, $3  }
0x1: {  	(tag) =	ssettag $0x0;
	lr =	simm.s32 $0x1  }
0x2: {  	[smem:$0x3F9E] =	sst lr;
	_ =	strace $0xD0000000  }
0x3: {  	_ = 	snop  }
0x4: {  	_ = 	snop  }
0x5: {  	_ = 	snop  }
0x6: {  	_ = 	snop  }
0x7: {  	_ = 	snop  }
__scs_overlays_trampoline_lowered:
0x8: {  	[smem:$0x3FAD] =	sst s0  }
0x9: {  	[smem:$0x3FAE] =	sst s1  }
0xa: {  	[smem:$0x3FAF] =	sst s2  }
0xb: {  	[smem:$0x3FB0] =	sst s3  }
0xc: {  	[smem:$0x3FB1] =	sst s4  }
0xd: {  	[smem:$0x3FB2] =	sst s5  }
0xe: {  	[smem:$0x3FB3] =	sst s6  }
0xf: {  	[smem:$0x3FB4] =	sst s7  }
0x10: {  	[smem:$0x3FB5] =	sst s8  }
0x11: {  	[smem:$0x3FB6] =	sst s9;
	s0 =	simm.s32 @!p0 $0x0  }
0x12: {  	s1 =	sld [smem:$0x3F9C];
	s0 =	simm.s32 @p0 $0x1  }
0x13: {  	[smem:$0x3FB7] =	sst s0;
	s0 =	simm.s32 @!p1 $0x0  }
0x14: {  	s2 =	sld [smem:$0x3F9B];
	s0 =	simm.s32 @p1 $0x1  }
0x15: {  	[smem:$0x3FB8] =	sst s0;
	s0 =	simm.s32 @!p2 $0x0  }
0x16: {  	s3 =	sld [smem:$0x3FDB];
	s0 =	simm.s32 @p2 $0x1  }
0x17: {  	s4 =	simm.s32 $0x1BF5;
	[smem:$0x3FBA] =	sst s0  }
0x18: {  	s0 =	sld [smem:$0x3F9D];
	_ =	swait.ge [sflag:s4], $0x0  }
0x19: {  	s7 =	sld [smem:$0x3F9E]  }
0x1a: {  	s8 =	sadd.s32 $0xFFFFE003, lr  }
0x1b: {  	s9 =	sadd.s32 $0xFFFFFEF7, lr;
	s5 =	simm.s32 $0xFFFFFFFF;
	p2 =	slt.u32 s8, $0xFFFFF086  }
0x1c: {  	p1 =	slt.u32 s9, $0xF7A;
	s5 =	simm.s32 @!p2 $0x0  }
0x1d: {  	s5 =	simm.s32 @p1 $0x1;
	p0 =	seq.s32 s7, s2  }
0x1e: {  	s7 =	smul.u32 @!p0 $0xF7A, s2;
	p2 =	seq.s32 @!p0 s5, $0x0  }
0x1f: {  	s9 =	smul.u32 $0xF7A, s1;
	s8 =	simm.s32 @!p0 $0x1BF5;
	p2 =	por !p2, p0  }
0x20: {  	[sflag:s8] =	ssyncset.s32 @!p0 $0xFFFFF086;
	s6 =	sadd.s32 @!p0 s3, s7;
	s7 =	simm.s32 @!p0 $0x108  }
0x21: {  	s3 =	sadd.s32 s3, s9;
	s6 =	sadd.s32 @!p0 $0x88, s6;
	s7 =	simm.s32 @p2 $0x1082  }
0x22: {  	[simem:s7], [sflag:s8] =	dma.local @!p0 [hbm:s6], $0xF7A  }
0x23: {  	s9 =	sor.u32 $0xD0000000, s2;
	s6 =	simm.s32 $0x108;
	_ =	swait.ge @!p0 [sflag:s8], $0x0  }
0x24: {  	s3 =	sadd.s32 $0x88, s3;
	s6 =	simm.s32 @!p1 $0x1082;
	[sflag:s4] =	ssyncset.s32 $0xFFFFF086  }
0x25: {  	[simem:s6], [sflag:s4] =	dma.local [hbm:s3], $0xF7A  }
0x26: {  	[smem:$0x3F9E] =	sst s1;
	(tag) =	ssettag s2;
	_ =	strace s9  }
0x27: {  	s1 =	sld [smem:$0x3FAE]  }
0x28: {  	s2 =	sld [smem:$0x3FAF]  }
0x29: {  	s4 =	sld [smem:$0x3FB1]  }
0x2a: {  	p0 =	seq.s32 s5, $0x0;
	s5 =	sld [smem:$0x3FB2]  }
0x2b: {  	s6 =	sld [smem:$0x3FB3]  }
0x2c: {  	s7 =	sld [smem:$0x3FB4]  }
0x2d: {  	s3 =	simm.s32 $0x108;
	s8 =	sld [smem:$0x3FB5]  }
0x2e: {  	s3 =	simm.s32 @!p0 $0x1082;
	s9 =	sld [smem:$0x3FB6]  }
0x2f: {  	lr =	sadd.s32 s0, s3;
	s0 =	sld [smem:$0x3FAD]  }
0x30: {  	s3 =	sld [smem:$0x3FB0]  }
0x31: {  	[smem:$0x3FB9] =	sst s10  }
0x32: {  	s10 =	sld [smem:$0x3FB7];
	_ =	sdelay $0x3  }
0x33: {  	p0 =	seq.s32 s10, $0x1;
	s10 =	sld [smem:$0x3FB9];
	_ =	sdelay $0x3  }
0x34: {  	[smem:$0x3FB9] =	sst s10  }
0x35: {  	s10 =	sld [smem:$0x3FB8];
	_ =	sdelay $0x3  }
0x36: {  	p1 =	seq.s32 s10, $0x1;
	s10 =	sld [smem:$0x3FB9];
	_ =	sdelay $0x3  }
0x37: {  	[smem:$0x3FB9] =	sst s10  }
0x38: {  	s10 =	sld [smem:$0x3FBA]  }
0x39: {  	_ = 	snop;
	(pc) =	sbr.ind lr, $3  }
0x3a: {  	_ = 	snop  }
0x3b: {  	_ = 	snop  }
0x3c: {  	p2 =	seq.s32 s10, $0x1;
	s10 =	sld [smem:$0x3FB9]  }
0x3d: {  	_ =	shalt  }
0x3e: {  	_ =	shalt  }
0x3f: {  	_ =	shalt  }
0x40: {  	_ =	shalt  }
0x41: {  	_ =	shalt  }
0x42: {  	_ =	shalt  }
0x43: {  	_ =	shalt  }
0x44: {  	_ =	shalt  }
0x45: {  	_ =	shalt  }
0x46: {  	_ =	shalt  }
0x47: {  	_ =	shalt  }
0x48: {  	_ =	shalt  }
0x49: {  	_ =	shalt  }
0x4a: {  	_ =	shalt  }
0x4b: {  	_ =	shalt  }
0x4c: {  	_ =	shalt  }
0x4d: {  	_ =	shalt  }
0x4e: {  	_ =	shalt  }
0x4f: {  	_ =	shalt  }
0x50: {  	_ =	shalt  }
0x51: {  	_ =	shalt  }
0x52: {  	_ =	shalt  }
0x53: {  	_ =	shalt  }
0x54: {  	_ =	shalt  }
0x55: {  	_ =	shalt  }
0x56: {  	_ =	shalt  }
0x57: {  	_ =	shalt  }
0x58: {  	_ =	shalt  }
0x59: {  	_ =	shalt  }
0x5a: {  	_ =	shalt  }
0x5b: {  	_ =	shalt  }
0x5c: {  	_ =	shalt  }
0x5d: {  	_ =	shalt  }
0x5e: {  	_ =	shalt  }
0x5f: {  	_ =	shalt  }
0x60: {  	_ =	shalt  }
0x61: {  	_ =	shalt  }
0x62: {  	_ =	shalt  }
0x63: {  	_ =	shalt  }
0x64: {  	_ =	shalt  }
0x65: {  	_ =	shalt  }
0x66: {  	_ =	shalt  }
0x67: {  	_ =	shalt  }
0x68: {  	_ =	shalt  }
0x69: {  	_ =	shalt  }
0x6a: {  	_ =	shalt  }
0x6b: {  	_ =	shalt  }
0x6c: {  	_ =	shalt  }
0x6d: {  	_ =	shalt  }
0x6e: {  	_ =	shalt  }
0x6f: {  	_ =	shalt  }
0x70: {  	_ =	shalt  }
0x71: {  	_ =	shalt  }
0x72: {  	_ =	shalt  }
0x73: {  	_ =	shalt  }
0x74: {  	_ =	shalt  }
0x75: {  	_ =	shalt  }
0x76: {  	_ =	shalt  }
0x77: {  	_ =	shalt  }
0x78: {  	_ =	shalt  }
0x79: {  	_ =	shalt  }
0x7a: {  	_ =	shalt  }
0x7b: {  	_ =	shalt  }
0x7c: {  	_ =	shalt  }
0x7d: {  	_ =	shalt  }
0x7e: {  	_ =	shalt  }
0x7f: {  	_ =	shalt  }
0x80: {  	_ =	shalt  }
0x81: {  	_ =	shalt  }
0x82: {  	_ =	shalt  }
0x83: {  	_ =	shalt  }
0x84: {  	_ =	shalt  }
0x85: {  	_ =	shalt  }
0x86: {  	_ =	shalt  }
0x87: {  	_ =	shalt  }
.Lfunc_end0:
.L_simem_size_0:
called_computation_lowered:
.L_overlay_start_0:
0x88: {  	s0 =	sld [smem:$0x3FD9]  }
0x89: {  	s1 =	sld [smem:$0x3FFE];
	_ =	sdelay $0x3  }
0x8a: {  	s0 =	sadd.s32 s1, s0  }
0x8b: {  	[smem:$0x3FC5] =	sst s0  }
0x8c: {  	_ = 	snop  }
0x8d: {  	s0 =	sld [smem:$0x3FD0]  }
0x8e: {  	s14 =	sld [smem:$0x3FC9]  }
0x8f: {  	s2 =	sld [smem:$0x3FC8]  }
0x90: {  	s4 =	simm.s32 $0xA;
	s5 =	simm.s32 $0x10;
	s3 =	sld [smem:$0x3FC7]  }
0x91: {  	[smem:s5], [sflag:s4] =	dma.local [hbm:s0], $0x1  }
0x92: {  	_ =	swait.eq [sflag:s4], $0x1  }
0x93: {  	[sflag:s4] =	ssyncset.done $0x0  }
0x94: {  	s15 =	sld [smem:$0x10];
	[sflag:s4] =	ssyncadd.s32 $0xFFFFFFFF  }
0x95: {  	s16 =	sld [smem:$0x11];
	(tm) =	ssettm $0x1  }
0x96: {  	s17 =	sld [smem:$0x3FFB];
	_ =	sdelay $0x3  }
0x97: {  	_ =	strace s17  }
0x98: {  	s5 =	sld [smem:$0x3FFC];
	_ =	sdelay $0x3  }
0x99: {  	_ =	strace s5  }
0x9a: {  	s5 =	sld [smem:$0x3FFD];
	_ =	sdelay $0x3  }
0x9b: {  	_ =	strace s5  }
0x9c: {  	_ =	strace $0x8FFFFFFF  }
0x9d: {  	s18 =	sld [smem:$0x3FDB];
	_ =	sdelay $0x1  }
0x9e: {  	s6 =	simm.s32 $_scs_section_size  }
0x9f: {  	s7 =	simm.s32 $_size__tile_overlayer_lowered;
	s8 =	simm.s32 $_tile_overlayer_lowered  }
0xa0: {  	s21 =	simm.s32 $0x1BFF;
	s20 =	sshll.u32 s8, $0x1;
	s5 =	sadd.s32 s6, s18  }
0xa1: {  	s9 =	simm.s32 $0x0;
	s19 =	sshll.u32 s7, $0x1;
	s7 =	sadd.s32 s20, s5  }
0xa2: {  	[timem:s9], [sflag:s21] =	dma.local [hbm:s7], s19  }
0xa3: {  	_ =	swait.ge [sflag:s21], s19  }
0xa4: {  	s6 =	ssub.s32 $0x0, s19;
	[sflag:s21] =	ssyncset.done $0x0  }
0xa5: {  	[sflag:s21] =	ssyncadd.s32 s6;
	_ =	sdelay $0x1  }
0xa6: {  	s22 =	simm.s32 $0x1B8B  }
0xa7: {  	_ =	swait.ge [sflag:s22], $0x1  }
0xa8: {  	[sflag:s22] =	ssyncset.done $0x0  }
0xa9: {  	s23 =	simm.s32 $0x1B8E;
	[sflag:s22] =	ssyncadd.s32 $0xFFFFFFFF  }
0xaa: {  	s24 =	simm.s32 $execute0_lowered;
	[smem:$0x3FD2] =	sst s23  }
0xab: {  	s6 =	sshll.u32 s24, $0x1;
	_ =	strace $0x80000046;
	[dreg:$0x1] =	wrdreg $0xFFFFFFFF  }
0xac: {  	s25 =	simm.s32 $_size_execute0_lowered;
	s5 =	sadd.s32 s5, s6;
	[dreg:$0x0] =	wrdreg $0x0  }
0xad: {  	s6 =	sshll.u32 s25, $0x1;
	[dreg:$0x2] =	wrdreg s5  }
0xae: {  	[dreg:$0x3] =	wrdreg s6  }
0xaf: {  	[dreg:$0x4] =	wrdreg $0xC0  }
0xb0: {  	_ =	task [dreg:s9], $0x5FFFF  }
0xb1: {  	[dreg:$0x1] =	wrdreg $0xFFFFFFFF  }
0xb2: {  	[dreg:$0x0] =	wrdreg $0x60  }
0xb3: {  	[dreg:$0x2] =	wrdreg s14  }
0xb4: {  	[dreg:$0x3] =	wrdreg s2  }
0xb5: {  	[dreg:$0x4] =	wrdreg s3  }
0xb6: {  	[dreg:$0x5] =	wrdreg s15  }
0xb7: {  	[dreg:$0x6] =	wrdreg s16  }
0xb8: {  	[dreg:$0x7] =	wrdreg $0x9  }
0xb9: {  	_ =	task.clear_ibuf [dreg:s9], $0x8FFFF;
	_ =	strace $0x90000046  }
0xba: {  	s26 =	simm.s32 $0x9;
	_ =	strace $0x80000048  }
0xbb: {  	_ =	swait.ge [sflag:s26], $0x1  }
0xbc: {  	[sflag:s26] =	ssyncadd.s32 $0xFFFFFFFF  }
0xbd: {  	_ =	strace $0x90000048  }
0xbe: {  	_ =	sfence  }
0xbf: {  	s28 =	sld [smem:$0x0];
	_ =	sdelay $0x1  }
0xc0: {  	s29 =	srdreg.scid  }
0xc1: {  	s30 =	sshll.u32 s29, $0xD;
	s31 =	sshrl.u32 s29, $0x2  }
0xc2: {  	s1 =	sand.u32 $0x1, s29;
	s2 =	sand.u32 $0x4000, s30;
	s0 =	sadd.s32 s31, s28  }
0xc3: {  	s1 =	sor.u32 s2, s1;
	s0 =	sshll.u32 s0, $0x11  }
0xc4: {  	s0 =	sor.u32 s0, s1  }
0xc5: {  	s0 =	sadd.s32 $0x8F2B, s0  }
0xc6: {  	[sflag:s0] =	ssyncadd.remote.s32 $0x1  }
0xc7: {  	_ =	sfence.sel $0xFFFF  }
0xc8: {  	[dreg:$0x0] =	wrdreg $0xFFFFFFFF;
	(pc) =	sbr.abs _section_cstart, $3  }
0xc9: {  	[dreg:$0x1] =	wrdreg $0xFFFFFFFF  }
0xca: {  	_ =	task.clear_ibuf [dreg:s9], $0x2FFFF;
	_ =	strace $0x9FFFFFFF  }
0xcb: {  	(tm) =	ssettm $0x7FFFFFFF  }
tec
execute0_lowered:
.L_overlay_start_1:
0x0: {  	(tag) =	ssettag $0x1  }
0x1: {  	s3 =	rddreg [dreg:$0x0]  }
0x2: {  	s4 =	rddreg [dreg:$0x1]  }
0x3: {  	s6 =	rddreg [dreg:$0x2]  }
0x4: {  	s2 =	rddreg [dreg:$0x3]  }
0x5: {  	s5 =	rddreg [dreg:$0x4];
	s1 =	stileid.u32;
	s7 =	simm.s32 $0x0  }
0x6: {  	s8 =	smul.u32 $0xF428, s1;
	[smem:$0x7FF] =	sst s7;
	p0 =	seq.s32 s1, $0xF  }
0x7: {  	s0 =	rddreg [dreg:$0x5];
	_ =	strace $0x80000047;
	s10 =	sadd.s32 @p0 $0x1C9CB, s6  }
0x8: {  	s11 =	simm.s32 @p0 $0x0;
	s12 =	simm.s32 @p0 $0x8808;
	s9 =	sshrl.u32 s8, $0x3  }
0x9: {  	[tilespmem:s12], [sflag:$0x2] =	stream.linear.gather @p0 [hbm4b:s10+s11], $0xF3E8, $0x38;
	[tilespmem:$0x17C80] =	vst v63  }
0xa: {  	s11 =	simm.s32 @!p0 $0x0;
	s12 =	simm.s32 @!p0 $0x8808;
	s10 =	sadd.s32 @!p0 s6, s9  }
0xb: {  	[tilespmem:s12], [sflag:$0x2] =	stream.linear.gather @!p0 [hbm4b:s10+s11], $0xF428, $0x38;
	[tilespmem:$0x17C80] =	vst v63  }
0xc: {  	s31 =	simm.s32 $0x4000  }
0xd: {  	[tilespmem:s31], [sflag:$0x1] =	stream.linear.gather [hbm4b:s4+s7], $0x4000, $0x38;
	[tilespmem:$0x17C80] =	vst v63  }
0xe: {  	s10 =	simm.s32 $0x4  }
0xf: {  	[tilespmem:s7], [sflag:$0x4] =	stream.linear.gather [hbm4b:s3+s7], $0x4000, $0x38;
	[tilespmem:$0x17C80] =	vst v63  }
0x10: {  	_ =	swait.ge [sflag:s10], $0x4000  }
0x11: {  	s11 =	simm.s32 $0x80;
	[sflag:s10] =	ssyncset.done $0x0  }
0x12: {  	s12 =	simm.s32 $0x8000;
	s3 =	sshll.u32 s1, $0xA;
	[sflag:s10] =	ssyncadd.s32 $0xFFFFC000  }
0x13: {  	[tilespmem:s12], [sflag:$0x1] =	stream.indirect.gather [hbm4b:s6+s11], $0x1, s3, s11, $0xb8;
	[tilespmem:$0x17C80] =	vst v63  }
0x14: {  	s14 =	simm.s32 $0x8080;
	s13 =	sor.u32 $0x80, s3  }
0x15: {  	[tilespmem:s14], [sflag:$0x1] =	stream.indirect.gather [hbm4b:s6+s11], $0x1, s13, s11, $0xb8;
	[tilespmem:$0x17C80] =	vst v63  }
0x16: {  	s16 =	simm.s32 $0x8100;
	s15 =	sor.u32 $0x100, s3  }
0x17: {  	[tilespmem:s16], [sflag:$0x1] =	stream.indirect.gather [hbm4b:s6+s11], $0x1, s15, s11, $0xb8;
	[tilespmem:$0x17C80] =	vst v63  }
0x18: {  	s18 =	simm.s32 $0x8180;
	s17 =	sor.u32 $0x180, s3  }
0x19: {  	[tilespmem:s18], [sflag:$0x1] =	stream.indirect.gather [hbm4b:s6+s11], $0x1, s17, s11, $0xb8;
	[tilespmem:$0x17C80] =	vst v63  }
0x1a: {  	s20 =	simm.s32 $0x8200;
	s19 =	sor.u32 $0x200, s3  }
0x1b: {  	[tilespmem:s20], [sflag:$0x1] =	stream.indirect.gather [hbm4b:s6+s11], $0x1, s19, s11, $0xb8;
	[tilespmem:$0x17C80] =	vst v63  }
0x1c: {  	s22 =	simm.s32 $0x8280;
	s21 =	sor.u32 $0x280, s3  }
0x1d: {  	[tilespmem:s22], [sflag:$0x1] =	stream.indirect.gather [hbm4b:s6+s11], $0x1, s21, s11, $0xb8;
	[tilespmem:$0x17C80] =	vst v63  }
0x1e: {  	s24 =	simm.s32 $0x8300;
	s23 =	sor.u32 $0x300, s3  }
0x1f: {  	[tilespmem:s24], [sflag:$0x1] =	stream.indirect.gather [hbm4b:s6+s11], $0x1, s23, s11, $0xb8;
	[tilespmem:$0x17C80] =	vst v63  }
0x20: {  	s26 =	simm.s32 $0x8380;
	s28 =	simm.s32 $0x1;
	s25 =	sor.u32 $0x380, s3  }
0x21: {  	[tilespmem:s26], [sflag:$0x1] =	stream.indirect.gather [hbm4b:s6+s11], $0x1, s25, s11, $0xb8;
	[tilespmem:$0x17C80] =	vst v63  }
0x22: {  	_ =	swait.ge [sflag:s28], $0x4000  }
0x23: {  	[sflag:s28] =	ssyncset.done $0x0  }
0x24: {  	s4 =	simm.s32 @p0 $0x2;
	[sflag:s28] =	ssyncadd.s32 $0xFFFFC000  }
0x25: {  	s29 =	smax.u32 s8, $0xE4E18;
	s8 =	sadd.s32 $0xFFFFFFF8, s8;
	_ =	swait.ge @p0 [sflag:s4], $0xF3E8  }
0x26: {  	s30 =	ssub.s32 $0xF4248, s29;
	v1 =	vmov s8;
	s8 =	simm.s32 $0x4040;
	[sflag:s4] =	ssyncset.done @p0 $0x0  }
0x27: {  	s31 =	sshll.u32 s1, $0x7;
	s6 =	simm.s32 @!p0 $0x2;
	[sflag:s4] =	ssyncadd.s32 @p0 $0xFFFF0C18  }
0x28: {  	s2 =	sadd.s32 s2, s31;
	s7 =	simm.s32 $0x40;
	_ =	swait.ge @!p0 [sflag:s6], $0xF428  }
0x29: {  	v0 =	vlaneseq.u32;
	s4 =	sadd.s32 s5, s9;
	s5 =	sadd.s32 $0x1C9CB, s5;
	[sflag:s6] =	ssyncset.done @!p0 $0x0  }
0x2a: {  	v0 =	vadd.s32 s30, v0;
	s9 =	simm.s32 $0x8800;
	[sflag:s6] =	ssyncadd.s32 @!p0 $0xFFFF0BD8;
	s6 =	simm.s32 $0xFFFFFFF8  }
.LBB2_1:
0x2b: {  	v2 =	vld [tilespmem:s7+$0xFFFFFFC0];
	_ =	sdelay $0x4  }
0x2c: {  	v2 =	vsub.s32 v2, v1  }
0x2d: {  	v3 =	vld [tilespmem:s8+$0xFFFFFFC0];
	v2 =	vmin.u32 v2, v0;
	_ =	sdelay $0x4  }
0x2e: {  	[tilespmem:v2+s9+$0x0] =	vst.idx.msk $0xffff, v3  }
0x2f: {  	v2 =	vld [tilespmem:s7+$0xFFFFFFD0];
	_ =	sdelay $0x4  }
0x30: {  	v2 =	vsub.s32 v2, v1  }
0x31: {  	v3 =	vld [tilespmem:s8+$0xFFFFFFD0];
	v2 =	vmin.u32 v2, v0;
	_ =	sdelay $0x4  }
0x32: {  	[tilespmem:v2+s9+$0x0] =	vst.idx.msk $0xffff, v3  }
0x33: {  	v2 =	vld [tilespmem:s7+$0xFFFFFFE0];
	_ =	sdelay $0x4  }
0x34: {  	v2 =	vsub.s32 v2, v1  }
0x35: {  	v3 =	vld [tilespmem:s8+$0xFFFFFFE0];
	v2 =	vmin.u32 v2, v0;
	_ =	sdelay $0x4  }
0x36: {  	[tilespmem:v2+s9+$0x0] =	vst.idx.msk $0xffff, v3  }
0x37: {  	v2 =	vld [tilespmem:s7+$0xFFFFFFF0];
	_ =	sdelay $0x4  }
0x38: {  	v2 =	vsub.s32 v2, v1  }
0x39: {  	v3 =	vld [tilespmem:s8+$0xFFFFFFF0];
	v2 =	vmin.u32 v2, v0;
	_ =	sdelay $0x4  }
0x3a: {  	[tilespmem:v2+s9+$0x0] =	vst.idx.msk $0xffff, v3  }
0x3b: {  	v2 =	vld [tilespmem:s7+$0x0];
	_ =	sdelay $0x4  }
0x3c: {  	v2 =	vsub.s32 v2, v1  }
0x3d: {  	v3 =	vld [tilespmem:s8+$0x0];
	v2 =	vmin.u32 v2, v0;
	_ =	sdelay $0x4  }
0x3e: {  	[tilespmem:v2+s9+$0x0] =	vst.idx.msk $0xffff, v3  }
0x3f: {  	v2 =	vld [tilespmem:s7+$0x10];
	_ =	sdelay $0x4  }
0x40: {  	v2 =	vsub.s32 v2, v1  }
0x41: {  	v3 =	vld [tilespmem:s8+$0x10];
	v2 =	vmin.u32 v2, v0;
	_ =	sdelay $0x4  }
0x42: {  	[tilespmem:v2+s9+$0x0] =	vst.idx.msk $0xffff, v3  }
0x43: {  	v2 =	vld [tilespmem:s7+$0x20];
	_ =	sdelay $0x4  }
0x44: {  	v2 =	vsub.s32 v2, v1  }
0x45: {  	v3 =	vld [tilespmem:s8+$0x20];
	v2 =	vmin.u32 v2, v0;
	_ =	sdelay $0x4  }
0x46: {  	[tilespmem:v2+s9+$0x0] =	vst.idx.msk $0xffff, v3  }
0x47: {  	v2 =	vld [tilespmem:s7+$0x30];
	_ =	sdelay $0x4  }
0x48: {  	s6 =	sadd.s32 $0x8, s6;
	v2 =	vsub.s32 v2, v1  }
0x49: {  	p1 =	slt.u32 s6, $0x3F8;
	v3 =	vld [tilespmem:s8+$0x30];
	v2 =	vmin.u32 v2, v0  }
.Ltmp0:
0x4a: {  	_ = 	snop;
	(pc) =	sbr.rel @p1 .LBB2_1-.Ltmp0, $2  }
0x4b: {  	_ =	sdelay $0x2  }
0x4c: {  	s7 =	sadd.s32 $0x80, s7;
	s8 =	sadd.s32 $0x80, s8;
	[tilespmem:v2+s9+$0x0] =	vst.idx.msk $0xffff, v3  }
0x4d: {  	s6 =	simm.s32 @p0 $0x0;
	s7 =	simm.s32 @p0 $0x8808  }
0x4e: {  	[hbm4b:s5+s6] =	stream.linear.scatter @p0 [tilespmem:s7], [sflag:$0x3], $0xF3E8, $0x38;
	[tilespmem:$0x17C80] =	vst v63  }
0x4f: {  	s30 =	simm.s32 $0x1;
	s5 =	simm.s32 @!p0 $0x0;
	s6 =	simm.s32 @!p0 $0x8808  }
0x50: {  	[hbm4b:s4+s5] =	stream.linear.scatter @!p0 [tilespmem:s6], [sflag:$0x3], $0xF428, $0x38;
	[tilespmem:$0x17C80] =	vst v63  }
0x51: {  	_ =	swait.ge [sflag:s30], $0x80  }
0x52: {  	[sflag:s30] =	ssyncset.done $0x0  }
0x53: {  	[sflag:s30] =	ssyncadd.s32 $0xFFFFFF80  }
0x54: {  	_ =	swait.ge [sflag:s30], $0x80  }
0x55: {  	[sflag:s30] =	ssyncset.done $0x0  }
0x56: {  	[sflag:s30] =	ssyncadd.s32 $0xFFFFFF80  }
0x57: {  	_ =	swait.ge [sflag:s30], $0x80  }
0x58: {  	[sflag:s30] =	ssyncset.done $0x0  }
0x59: {  	[sflag:s30] =	ssyncadd.s32 $0xFFFFFF80  }
0x5a: {  	_ =	swait.ge [sflag:s30], $0x80  }
0x5b: {  	[sflag:s30] =	ssyncset.done $0x0  }
0x5c: {  	[sflag:s30] =	ssyncadd.s32 $0xFFFFFF80  }
0x5d: {  	_ =	swait.ge [sflag:s30], $0x80  }
0x5e: {  	[sflag:s30] =	ssyncset.done $0x0  }
0x5f: {  	[sflag:s30] =	ssyncadd.s32 $0xFFFFFF80  }
0x60: {  	_ =	swait.ge [sflag:s30], $0x80  }
0x61: {  	[sflag:s30] =	ssyncset.done $0x0  }
0x62: {  	[sflag:s30] =	ssyncadd.s32 $0xFFFFFF80  }
0x63: {  	_ =	swait.ge [sflag:s30], $0x80  }
0x64: {  	[sflag:s30] =	ssyncset.done $0x0  }
0x65: {  	[sflag:s30] =	ssyncadd.s32 $0xFFFFFF80  }
0x66: {  	_ =	swait.ge [sflag:s30], $0x80  }
0x67: {  	[sflag:s30] =	ssyncset.done $0x0  }
0x68: {  	s31 =	simm.s32 $0x8040;
	[sflag:s30] =	ssyncadd.s32 $0xFFFFFF80  }
0x69: {  	s3 =	sor.u32 $0x4040, s3;
	v0 =	vld [tilespmem:s31+$0xFFFFFFC0]  }
0x6a: {  	v1 =	vld [tilespmem:s3+$0xFFFFFFC0];
	_ =	sdelay $0x4  }
0x6b: {  	v1 =	vsub.f32 v1, v0;
	_ =	sdelay $0x1  }
0x6c: {  	vm0 =	vge.f32 v0, $0.0e+00;
	v0 =	vmax.f32 v1, $0.0e+00  }
0x6d: {  	s4 =	simm.s32 $0x8440;
	v0 =	vnsel vm0, $0x3F800000, v0  }
0x6e: {  	[tilespmem:s4+$0xFFFFFFC0] =	vst v0  }
0x6f: {  	v0 =	vld [tilespmem:s31+$0xFFFFFFD0]  }
0x70: {  	v1 =	vld [tilespmem:s3+$0xFFFFFFD0];
	_ =	sdelay $0x4  }
0x71: {  	v1 =	vsub.f32 v1, v0;
	_ =	sdelay $0x1  }
0x72: {  	vm10 =	vge.f32 v0, $0.0e+00;
	v0 =	vmax.f32 v1, $0.0e+00  }
0x73: {  	v0 =	vnsel vm10, $0x3F800000, v0  }
0x74: {  	[tilespmem:s4+$0xFFFFFFD0] =	vst v0  }
0x75: {  	v0 =	vld [tilespmem:s31+$0xFFFFFFE0]  }
0x76: {  	v1 =	vld [tilespmem:s3+$0xFFFFFFE0];
	_ =	sdelay $0x4  }
0x77: {  	v1 =	vsub.f32 v1, v0;
	_ =	sdelay $0x1  }
0x78: {  	vm11 =	vge.f32 v0, $0.0e+00;
	v0 =	vmax.f32 v1, $0.0e+00  }
0x79: {  	v0 =	vnsel vm11, $0x3F800000, v0  }
0x7a: {  	[tilespmem:s4+$0xFFFFFFE0] =	vst v0  }
0x7b: {  	v0 =	vld [tilespmem:s31+$0xFFFFFFF0]  }
0x7c: {  	v1 =	vld [tilespmem:s3+$0xFFFFFFF0];
	_ =	sdelay $0x4  }
0x7d: {  	v1 =	vsub.f32 v1, v0;
	_ =	sdelay $0x1  }
0x7e: {  	vm12 =	vge.f32 v0, $0.0e+00;
	v0 =	vmax.f32 v1, $0.0e+00  }
0x7f: {  	v0 =	vnsel vm12, $0x3F800000, v0  }
0x80: {  	[tilespmem:s4+$0xFFFFFFF0] =	vst v0  }
0x81: {  	v0 =	vld [tilespmem:s31+$0x0]  }
0x82: {  	v1 =	vld [tilespmem:s3+$0x0];
	_ =	sdelay $0x4  }
0x83: {  	v1 =	vsub.f32 v1, v0;
	_ =	sdelay $0x1  }
0x84: {  	vm13 =	vge.f32 v0, $0.0e+00;
	v0 =	vmax.f32 v1, $0.0e+00  }
0x85: {  	v0 =	vnsel vm13, $0x3F800000, v0  }
0x86: {  	[tilespmem:s4+$0x0] =	vst v0  }
0x87: {  	v0 =	vld [tilespmem:s31+$0x10]  }
0x88: {  	v1 =	vld [tilespmem:s3+$0x10];
	_ =	sdelay $0x4  }
0x89: {  	v1 =	vsub.f32 v1, v0;
	_ =	sdelay $0x1  }
0x8a: {  	vm14 =	vge.f32 v0, $0.0e+00;
	v0 =	vmax.f32 v1, $0.0e+00  }
0x8b: {  	v0 =	vnsel vm14, $0x3F800000, v0  }
0x8c: {  	[tilespmem:s4+$0x10] =	vst v0  }
0x8d: {  	v0 =	vld [tilespmem:s31+$0x20]  }
0x8e: {  	v1 =	vld [tilespmem:s3+$0x20];
	_ =	sdelay $0x4  }
0x8f: {  	v1 =	vsub.f32 v1, v0;
	_ =	sdelay $0x1  }
0x90: {  	vm15 =	vge.f32 v0, $0.0e+00;
	v0 =	vmax.f32 v1, $0.0e+00  }
0x91: {  	v0 =	vnsel vm15, $0x3F800000, v0  }
0x92: {  	[tilespmem:s4+$0x20] =	vst v0  }
0x93: {  	v0 =	vld [tilespmem:s31+$0x30]  }
0x94: {  	v1 =	vld [tilespmem:s3+$0x30]  }
0x95: {  	s7 =	simm.s32 $0x80C0;
	s6 =	simm.s32 $0x0;
	s5 =	simm.s32 $0x8440  }
.LBB2_3:
0x96: {  	s6 =	sadd.s32 $0x8, s6;
	s3 =	sadd.s32 $0x80, s3;
	s4 =	sadd.s32 $0x80, s4  }
0x97: {  	p1 =	slt.u32 s6, $0x38  }
0x98: {  	vm0 =	vge.f32 v0, $0.0e+00  }
0x99: {  	v0 =	vsub.f32 v1, v0;
	_ =	sdelay $0x1  }
0x9a: {  	v0 =	vmax.f32 v0, $0.0e+00  }
0x9b: {  	v0 =	vnsel vm0, $0x3F800000, v0  }
0x9c: {  	[tilespmem:s5+$0x30] =	vst v0;
	s5 =	smov.u32 s4  }
0x9d: {  	v0 =	vld [tilespmem:s7+$0xFFFFFFC0]  }
0x9e: {  	v1 =	vld [tilespmem:s3+$0xFFFFFFC0];
	_ =	sdelay $0x4  }
0x9f: {  	v1 =	vsub.f32 v1, v0;
	_ =	sdelay $0x1  }
0xa0: {  	vm0 =	vge.f32 v0, $0.0e+00;
	v0 =	vmax.f32 v1, $0.0e+00  }
0xa1: {  	v0 =	vnsel vm0, $0x3F800000, v0  }
0xa2: {  	[tilespmem:s4+$0xFFFFFFC0] =	vst v0  }
0xa3: {  	v0 =	vld [tilespmem:s7+$0xFFFFFFD0]  }
0xa4: {  	v1 =	vld [tilespmem:s3+$0xFFFFFFD0];
	_ =	sdelay $0x4  }
0xa5: {  	v1 =	vsub.f32 v1, v0  }
0xa6: {  	vm0 =	vge.f32 v0, $0.0e+00  }
0xa7: {  	v0 =	vmax.f32 v1, $0.0e+00  }
0xa8: {  	v0 =	vnsel vm0, $0x3F800000, v0  }
0xa9: {  	[tilespmem:s4+$0xFFFFFFD0] =	vst v0  }
0xaa: {  	v0 =	vld [tilespmem:s7+$0xFFFFFFE0]  }
0xab: {  	v1 =	vld [tilespmem:s3+$0xFFFFFFE0];
	_ =	sdelay $0x4  }
0xac: {  	vm0 =	vge.f32 v0, $0.0e+00;
	v0 =	vsub.f32 v1, v0;
	_ =	sdelay $0x1  }
0xad: {  	v0 =	vmax.f32 v0, $0.0e+00  }
0xae: {  	v0 =	vnsel vm0, $0x3F800000, v0  }
0xaf: {  	[tilespmem:s4+$0xFFFFFFE0] =	vst v0  }
0xb0: {  	v0 =	vld [tilespmem:s7+$0xFFFFFFF0]  }
0xb1: {  	v1 =	vld [tilespmem:s3+$0xFFFFFFF0];
	_ =	sdelay $0x3  }
0xb2: {  	vm0 =	vge.f32 v0, $0.0e+00  }
0xb3: {  	v0 =	vsub.f32 v1, v0;
	_ =	sdelay $0x1  }
0xb4: {  	v0 =	vmax.f32 v0, $0.0e+00  }
0xb5: {  	v0 =	vnsel vm0, $0x3F800000, v0  }
0xb6: {  	[tilespmem:s4+$0xFFFFFFF0] =	vst v0  }
0xb7: {  	v0 =	vld [tilespmem:s7+$0x0]  }
0xb8: {  	v1 =	vld [tilespmem:s3+$0x0];
	_ =	sdelay $0x3  }
0xb9: {  	vm0 =	vge.f32 v0, $0.0e+00  }
0xba: {  	v0 =	vsub.f32 v1, v0;
	_ =	sdelay $0x1  }
0xbb: {  	v0 =	vmax.f32 v0, $0.0e+00  }
0xbc: {  	v0 =	vnsel vm0, $0x3F800000, v0  }
0xbd: {  	[tilespmem:s4+$0x0] =	vst v0  }
0xbe: {  	v0 =	vld [tilespmem:s7+$0x10]  }
0xbf: {  	v1 =	vld [tilespmem:s3+$0x10];
	_ =	sdelay $0x3  }
0xc0: {  	vm0 =	vge.f32 v0, $0.0e+00  }
0xc1: {  	v0 =	vsub.f32 v1, v0;
	_ =	sdelay $0x1  }
0xc2: {  	v0 =	vmax.f32 v0, $0.0e+00  }
0xc3: {  	v0 =	vnsel vm0, $0x3F800000, v0  }
0xc4: {  	[tilespmem:s4+$0x10] =	vst v0  }
0xc5: {  	v0 =	vld [tilespmem:s7+$0x20]  }
0xc6: {  	v1 =	vld [tilespmem:s3+$0x20];
	_ =	sdelay $0x3  }
0xc7: {  	vm0 =	vge.f32 v0, $0.0e+00  }
0xc8: {  	v0 =	vsub.f32 v1, v0;
	_ =	sdelay $0x1  }
0xc9: {  	v0 =	vmax.f32 v0, $0.0e+00  }
.Ltmp1:
0xca: {  	v0 =	vnsel vm0, $0x3F800000, v0;
	(pc) =	sbr.rel @p1 .LBB2_3-.Ltmp1, $4  }
0xcb: {  	[tilespmem:s4+$0x20] =	vst v0  }
0xcc: {  	v0 =	vld [tilespmem:s7+$0x30]  }
0xcd: {  	v1 =	vld [tilespmem:s3+$0x30]  }
0xce: {  	s7 =	sadd.s32 $0x80, s7  }
0xcf: {  	_ =	sdelay $0x2  }
0xd0: {  	v1 =	vsub.f32 v1, v0;
	_ =	sdelay $0x1  }
0xd1: {  	vm0 =	vge.f32 v0, $0.0e+00;
	v63 =	vmax.f32 v1, $0.0e+00  }
0xd2: {  	v0 =	vnsel vm0, $0x3F800000, v63  }
0xd3: {  	s3 =	simm.s32 $0x0;
	s4 =	simm.s32 $0x8400;
	s31 =	simm.s32 $0x4;
	[tilespmem:s5+$0x30] =	vst v0  }
0xd4: {  	[hbm4b:s2+s3] =	stream.linear.scatter [tilespmem:s4], [sflag:$0x4], $0x400, $0x38;
	[tilespmem:$0x17C80] =	vst v63  }
0xd5: {  	_ =	swait.ge [sflag:s31], $0x400  }
0xd6: {  	[sflag:s31] =	ssyncset.done $0x0  }
0xd7: {  	s2 =	simm.s32 @p0 $0x3;
	[sflag:s31] =	ssyncadd.s32 $0xFFFFFC00  }
0xd8: {  	_ =	swait.ge @p0 [sflag:s2], $0xF3E8  }
0xd9: {  	[sflag:s2] =	ssyncset.done @p0 $0x0  }
0xda: {  	[sflag:s2] =	ssyncadd.s32 @p0 $0xFFFF0C18;
	s2 =	simm.s32 @!p0 $0x3  }
0xdb: {  	_ =	swait.ge @!p0 [sflag:s2], $0xF428  }
0xdc: {  	[sflag:s2] =	ssyncset.done @!p0 $0x0  }
0xdd: {  	[sflag:s2] =	ssyncadd.s32 @!p0 $0xFFFF0BD8  }
0xde: {  	_ =	sfence.sel $0x180000  }
0xdf: {  	[bflag:$0x0] =	sbarrier.arrive $0xFFFF  }
0xe0: {  	p0 =	sne.s32 s1, $0x0;
	_ =	strace $0x90000047  }
0xe1: {  	s0 =	sadd.s32 @!p0 $0x100000, s0;
	[bflag:$0x2] =	sbarrier.arrive $0xFFFF  }
0xe2: {  	[sflag:s0] =	ssyncadd.tile.s32 @!p0 $0x1;
	_ =	shalt  }
.Lfunc_end2:
_tile_overlayer_lowered:
.L_overlay_start_2:
0xe3: {  	(tag) =	ssettag $0x2  }
0xe4: {  	s0 =	rddreg [dreg:$0x0];
	s2 =	stileid.u32  }
0xe5: {  	s1 =	rddreg [dreg:$0x1];
	p0 =	sne.s32 s2, $0x0  }
0xe6: {  	s3 =	rddreg [dreg:$0x2];
	[bflag:$0x3] =	sbarrier.arrive $0xFFFF;
	s2 =	simm.s32 @!p0 $0x1C04  }
0xe7: {  	[timem:s3], [sflag:s2] =	dma.local @!p0 [hbm:s0], s1  }
0xe8: {  	s0 =	simm.s32 @!p0 $0x4  }
0xe9: {  	_ =	swait.ge @!p0 [sflag:s0], s1  }
0xea: {  	s1 =	ssub.s32 @!p0 $0x0, s1;
	[sflag:s0] =	ssyncset.done @!p0 $0x0  }
0xeb: {  	[sflag:s0] =	ssyncadd.s32 @!p0 s1  }
0xec: {  	[bflag:$0x3] =	sbarrier.arrive $0xFFFF  }
0xed: {  	_ =	shalt  }

</sc_bundles>
